<compile_context>
chip_gen: v7x
topology: tpu7x:2x2x1
jax: 0.10.2.dev20260603
libtpu: 0.0.44.dev20260713+nightly
codegen_flags: <defaults>
</compile_context>

<pallas_src>
import functools

import jax
import jax.numpy as jnp
from jax import lax
from jax.experimental import pallas as pl
from jax.experimental.pallas import tpu as pltpu
from jax.experimental.pallas import tpu_sc as plsc

N = 10000
E = 160000
D = 256
H = 128
NC = 2
NS = 16
CH = 128
EPAD = 163840
NROWS = 10240
DUMMY = 10000
RPT = NROWS // NS
CHA = EPAD // (NC * NS * CH)
CHC = EPAD // (NS * CH)


def _sc_mesh():
    return plsc.VectorSubcoreMesh(
        core_axis_name="c", subcore_axis_name="s", num_cores=NC,
        num_subcores=NS)


def _degree(col3a):

    @functools.partial(
        pl.kernel,
        out_type=jax.ShapeDtypeStruct((NC, NROWS, 16), jnp.float32),
        mesh=_sc_mesh(),
        scratch_types=[
            pltpu.VMEM((CHA, CH), jnp.int32),
            pltpu.VMEM((CH, 16), jnp.float32),
            pltpu.VMEM((64, 16), jnp.float32),
            pltpu.VMEM_SHARED((NROWS, 16), jnp.float32),
        ],
    )
    def k(col_hbm, out_hbm, idx_v, ones_v, z_v, acc_sh):
        c = lax.axis_index("c")
        s = lax.axis_index("s")
        wid = s * NC + c

        @pl.loop(0, 64)
        def _(i):
            z_v[i, :] = jnp.zeros((16,), jnp.float32)

        @pl.loop(0, CH)
        def _(i):
            ones_v[i, :] = jnp.ones((16,), jnp.float32)

        @pl.loop(0, RPT // 64)
        def _(kk):
            pltpu.sync_copy(z_v, acc_sh.at[pl.ds(s * RPT + kk * 64, 64)])

        pltpu.sync_copy(col_hbm.at[wid], idx_v)
        plsc.subcore_barrier()

        @pl.loop(0, CHA)
        def _(j):
            pltpu.sync_copy(ones_v, acc_sh.at[idx_v.at[j]], add=True)

        plsc.subcore_barrier()
        pltpu.sync_copy(acc_sh.at[pl.ds(s * RPT, RPT)],
                        out_hbm.at[c, pl.ds(s * RPT, RPT)])

    return k(col3a)


def _segment_sum(lo, hi, row3, col3):

    @functools.partial(
        pl.kernel,
        out_type=jax.ShapeDtypeStruct((NC, NROWS, H), jnp.float32),
        mesh=_sc_mesh(),
        scratch_types=[
            pltpu.VMEM((CHA, CH), jnp.int32),
            pltpu.VMEM((CHA, CH), jnp.int32),
            pltpu.VMEM((CH, H), jnp.float32),
            pltpu.VMEM((CH, H), jnp.float32),
            pltpu.SemaphoreType.DMA,
            pltpu.SemaphoreType.DMA,
            pltpu.VMEM_SHARED((NROWS, H), jnp.float32),
        ],
    )
    def k(lo_hbm, hi_hbm, row_hbm, col_hbm, out_hbm,
          ri_v, ci_v, g0_v, g1_v, sem0, sem1, acc_sh):
        c = lax.axis_index("c")
        s = lax.axis_index("s")
        bufs = (g0_v, g1_v)
        sems = (sem0, sem1)

        def gather_desc(jj, b):
            if_lo = pltpu.make_async_copy(
                lo_hbm.at[ri_v.at[jj]], bufs[b], sems[b])
            if_hi = pltpu.make_async_copy(
                hi_hbm.at[ri_v.at[jj]], bufs[b], sems[b])
            return if_lo, if_hi

        def start_gather(jj, b):
            if_lo, if_hi = gather_desc(jj, b)

            @pl.when(c == 0)
            def _():
                if_lo.start()

            @pl.when(c == 1)
            def _():
                if_hi.start()

        def wait_gather(jj, b):
            if_lo, if_hi = gather_desc(jj, b)

            @pl.when(c == 0)
            def _():
                if_lo.wait()

            @pl.when(c == 1)
            def _():
                if_hi.wait()

        @pl.loop(0, CH)
        def _(i):
            @pl.loop(0, H // 16)
            def _(j):
                g0_v[i, pl.ds(j * 16, 16)] = jnp.zeros((16,), jnp.float32)

        @pl.loop(0, RPT // CH)
        def _(kk):
            pltpu.sync_copy(g0_v, acc_sh.at[pl.ds(s * RPT + kk * CH, CH)])

        plsc.subcore_barrier()

        for h_stage in range(2):
            slab = h_stage * NS + s
            pltpu.sync_copy(row_hbm.at[slab], ri_v)
            pltpu.sync_copy(col_hbm.at[slab], ci_v)
            start_gather(0, 0)

            @pl.loop(0, CHA, step=2)
            def _(j):
                for b in range(2):
                    jj = j + b
                    wait_gather(jj, b)

                    @pl.when(jj + 1 < CHA)
                    def _():
                        start_gather(jj + 1, 1 - b)

                    pltpu.sync_copy(bufs[b], acc_sh.at[ci_v.at[jj]],
                                    add=True)

        plsc.subcore_barrier()
        pltpu.sync_copy(acc_sh.at[pl.ds(s * RPT, RPT)],
                        out_hbm.at[c, pl.ds(s * RPT, RPT)])

    return k(lo, hi, row3, col3)


def _mm_body(x_ref, w_ref, xw_ref):
    xw_ref[...] = jnp.dot(x_ref[...], w_ref[...],
                          preferred_element_type=jnp.float32)


def _matmul(x, w):
    nb = 10
    bs = N // nb
    return pl.pallas_call(
        _mm_body,
        grid=(nb,),
        in_specs=[
            pl.BlockSpec((bs, D), lambda i: (i, 0)),
            pl.BlockSpec((D, D), lambda i: (0, 0)),
        ],
        out_specs=pl.BlockSpec((bs, D), lambda i: (i, 0)),
        out_shape=jax.ShapeDtypeStruct((N, D), jnp.float32),
    )(x, w)


def _scale_body(xw_ref, d_ref, lo_ref, hi_ref):
    deg = d_ref[0, :, 0] + d_ref[1, :, 0] + 1.0
    dinv = lax.rsqrt(deg)[:, None]
    xw = xw_ref[...]
    lo_ref[...] = xw[:, :H] * dinv
    hi_ref[...] = xw[:, H:] * dinv


def _scale(xw, deg2):
    nb = 10
    bs = N // nb
    return pl.pallas_call(
        _scale_body,
        grid=(nb,),
        in_specs=[
            pl.BlockSpec((bs, D), lambda i: (i, 0)),
            pl.BlockSpec((NC, bs, 16), lambda i: (0, i, 0)),
        ],
        out_specs=[
            pl.BlockSpec((bs, H), lambda i: (i, 0)),
            pl.BlockSpec((bs, H), lambda i: (i, 0)),
        ],
        out_shape=[
            jax.ShapeDtypeStruct((N, H), jnp.float32),
            jax.ShapeDtypeStruct((N, H), jnp.float32),
        ],
    )(xw, deg2)


def _fuse_body(hraw_ref, lo_ref, hi_ref, d_ref, bg_ref, t_ref, wt_ref,
               bt_ref, h_ref, st_ref, temb_s, acc_s):
    i = pl.program_id(0)

    @pl.when(i == 0)
    def _():
        temb_s[...] = jnp.maximum(
            jnp.dot(t_ref[...], wt_ref[...],
                    preferred_element_type=jnp.float32) + bt_ref[...], 0.0)
        acc_s[...] = jnp.zeros_like(acc_s)

    temb = temb_s[...]
    deg = d_ref[0, :, 0] + d_ref[1, :, 0] + 1.0
    dinv = lax.rsqrt(deg)[:, None]
    h_lo = jnp.maximum(
        dinv * (hraw_ref[0] + lo_ref[...]) + bg_ref[:, :H] + temb[:, :H], 0.0)
    h_hi = jnp.maximum(
        dinv * (hraw_ref[1] + hi_ref[...]) + bg_ref[:, H:] + temb[:, H:], 0.0)
    h = jnp.concatenate([h_lo, h_hi], axis=1)
    h_ref[...] = h
    acc_s[0:1, :] += jnp.sum(h, axis=0, keepdims=True)
    acc_s[1:2, :] += jnp.sum(h * h, axis=0, keepdims=True)
    st_ref[...] = acc_s[...]


def _fuse(hraw, lo, hi, deg2, bg, t, wt, bt):
    nb = 10
    bs = N // nb
    return pl.pallas_call(
        _fuse_body,
        grid=(nb,),
        in_specs=[
            pl.BlockSpec((NC, bs, H), lambda i: (0, i, 0)),
            pl.BlockSpec((bs, H), lambda i: (i, 0)),
            pl.BlockSpec((bs, H), lambda i: (i, 0)),
            pl.BlockSpec((NC, bs, 16), lambda i: (0, i, 0)),
            pl.BlockSpec((1, D), lambda i: (0, 0)),
            pl.BlockSpec((1, D), lambda i: (0, 0)),
            pl.BlockSpec((D, D), lambda i: (0, 0)),
            pl.BlockSpec((1, D), lambda i: (0, 0)),
        ],
        out_specs=[
            pl.BlockSpec((bs, D), lambda i: (i, 0)),
            pl.BlockSpec((8, D), lambda i: (0, 0)),
        ],
        out_shape=[
            jax.ShapeDtypeStruct((N, D), jnp.float32),
            jax.ShapeDtypeStruct((8, D), jnp.float32),
        ],
        scratch_shapes=[
            pltpu.VMEM((1, D), jnp.float32),
            pltpu.VMEM((8, D), jnp.float32),
        ],
    )(hraw, lo, hi, deg2, bg, t, wt, bt)


def _bn_body(h_ref, st_ref, g_ref, b_ref, o_ref):
    mean = st_ref[0:1, :] * (1.0 / N)
    var = st_ref[1:2, :] * (1.0 / N) - mean * mean
    scale = lax.rsqrt(var + 1e-5) * g_ref[...]
    o_ref[...] = (h_ref[...] - mean) * scale + b_ref[...]


def _bn(h, st, g, b):
    nb = 10
    bs = N // nb
    return pl.pallas_call(
        _bn_body,
        grid=(nb,),
        in_specs=[
            pl.BlockSpec((bs, D), lambda i: (i, 0)),
            pl.BlockSpec((8, D), lambda i: (0, 0)),
            pl.BlockSpec((1, D), lambda i: (0, 0)),
            pl.BlockSpec((1, D), lambda i: (0, 0)),
        ],
        out_specs=pl.BlockSpec((bs, D), lambda i: (i, 0)),
        out_shape=jax.ShapeDtypeStruct((N, D), jnp.float32),
    )(h, st, g, b)


def kernel(x, edge_index, t, W_gcn, b_gcn, W_t, b_t, gamma, beta):
    row = edge_index[0]
    col = edge_index[1]
    pad = EPAD - E
    rowp = jnp.concatenate([row, jnp.zeros((pad,), jnp.int32)])
    colp = jnp.concatenate([col, jnp.full((pad,), DUMMY, jnp.int32)])
    col3a = colp.reshape(NC * NS, CHA, CH)
    row3a = rowp.reshape(NC * NS, CHA, CH)

    deg2 = _degree(col3a)
    xw = _matmul(x, W_gcn)
    lo, hi = _scale(xw, deg2)
    hraw = _segment_sum(lo, hi, row3a, col3a)
    h, st = _fuse(hraw, lo, hi, deg2, b_gcn.reshape(1, D), t, W_t,
                  b_t.reshape(1, D))
    return _bn(h, st, gamma.reshape(1, D), beta.reshape(1, D))

# --- scband reference (transcript-rebuilt; emitter-appended) ---
"""Pipeline reference for scband-block-26027501813799 (READ-ONLY COPY).

The authoritative reference and input builder live on the scoring server;
editing this copy changes nothing except your own understanding.
"""

import jax, jax.numpy as jnp
import numpy as np

N = 10000
E = 160000
D_IN = 256
D_OUT = 256
D_T = 256


def setup_inputs(seed: int = 0) -> dict:
    key = jax.random.key(seed)
    ks = jax.random.split(key, 9)
    x = jax.random.normal(ks[0], (N, D_IN), dtype=jnp.float32)
    edge_index = jax.random.randint(ks[1], (2, E), 0, N, dtype=jnp.int32)
    t = jax.random.normal(ks[2], (1, D_T), dtype=jnp.float32)
    # GCNConv linear weight (glorot-ish) and bias
    W_gcn = jax.random.normal(ks[3], (D_IN, D_OUT), dtype=jnp.float32) * (1.0 / np.sqrt(D_IN))
    b_gcn = jnp.zeros((D_OUT,), dtype=jnp.float32)
    # time_mlp: nn.Linear(time_emb_dim, out_ch)
    W_t = jax.random.normal(ks[4], (D_T, D_OUT), dtype=jnp.float32) * (1.0 / np.sqrt(D_T))
    b_t = jnp.zeros((D_OUT,), dtype=jnp.float32)
    # BatchNorm1d affine params
    gamma = jnp.ones((D_OUT,), dtype=jnp.float32)
    beta = jnp.zeros((D_OUT,), dtype=jnp.float32)
    return {"x": x, "edge_index": edge_index, "t": t, "W_gcn": W_gcn,
            "b_gcn": b_gcn, "W_t": W_t, "b_t": b_t, "gamma": gamma, "beta": beta}


def reference(x, edge_index, t, W_gcn, b_gcn, W_t, b_t, gamma, beta):
    n = x.shape[0]
    # GCNConv: add self loops, symmetric normalization, x @ W, scatter-add
    loops = jnp.arange(n, dtype=edge_index.dtype)
    row = jnp.concatenate([edge_index[0], loops])  # source
    col = jnp.concatenate([edge_index[1], loops])  # target
    deg = jnp.zeros((n,), dtype=x.dtype).at[col].add(1.0)
    deg_inv_sqrt = jnp.where(deg > 0, 1.0 / jnp.sqrt(deg), 0.0)
    norm = deg_inv_sqrt[row] * deg_inv_sqrt[col]
    xw = x @ W_gcn
    msgs = jnp.take(xw, row, axis=0) * norm[:, None]
    h = jnp.zeros((n, xw.shape[1]), dtype=x.dtype).at[col].add(msgs)
    h = h + b_gcn
    # time MLP + ReLU, broadcast (repeat) over nodes
    time_emb = jax.nn.relu(t @ W_t + b_t)  # [1, out_ch]
    h = jax.nn.relu(h + time_emb)
    # BatchNorm1d in training mode (batch statistics, biased variance)
    mean = jnp.mean(h, axis=0)
    var = jnp.var(h, axis=0)
    out = (h - mean) / jnp.sqrt(var + 1e-5) * gamma + beta
    return out


if False:  # reference __main__ guard neutralized (emitter)
    inp = setup_inputs()
    out = reference(**inp)
    print(out.shape, out.dtype)

if __name__ == "__main__":
    import jax
    _d = setup_inputs()
    print(jax.jit(kernel)(*tuple(_d.values())))

</pallas_src>

<mosaic_0001>
#map = affine_map<(d0, d1) -> (0, 0, 0)>
module attributes {stable_mosaic.version = 14 : i64} {
  func.func @k(%arg0: i32, %arg1: i32, %arg2: memref<32x40x128xi32, #tpu.memory_space<hbm>>, %arg3: memref<2x10240x16xf32, #tpu.memory_space<hbm>>, %arg4: memref<40x128xi32, #tpu.memory_space<vmem>>, %arg5: memref<128x16xf32, #tpu.memory_space<vmem>>, %arg6: memref<64x16xf32, #tpu.memory_space<vmem>>, %arg7: memref<10240x16xf32, #tpu.memory_space<vmem_shared>>) attributes {dimension_semantics = [#tpu.dimension_semantics<core_parallel>, #tpu.dimension_semantics<subcore_parallel>], iteration_bounds = array<i64: 2, 16>, scalar_prefetch = 0 : i64, scratch_operands = 4 : i64, tpu.core_type = #tpu.core_type<sc_vector_subcore>, window_params = [{transform_indices = #map}, {transform_indices = #map}]} {
    %mul3A = arith.constant 2 : i32
    %mul3A_0 = arith.muli %arg1, %mul3A : i32
    %add3A = arith.addi %mul3A_0, %arg0 : i32
    %scan3A = arith.constant 0 : i32
    %scan3A_1 = arith.constant 64 : i32
    %scan3A_2 = arith.addi %scan3A, %scan3A_1 : i32
    %scan3A_3 = arith.constant 1 : i32
    scf.for %scan3A_25 = %scan3A to %scan3A_2 step %scan3A_3  : i32 {
      %mul3A_26 = arith.constant 1 : i32
      %mul3A_27 = arith.muli %scan3A_25, %mul3A_26 : i32
      %add3A_28 = arith.constant 0 : i32
      %add3A_29 = arith.addi %add3A_28, %mul3A_27 : i32
      %broadcast_in_dim3A = arith.constant 0.000000e+00 : f32
      %broadcast_in_dim3A_30 = vector.broadcast %broadcast_in_dim3A : f32 to vector<16xf32>
      %swap3A = arith.index_cast %add3A_29 : i32 to index
      %swap3A_31 = arith.constant 0 : index
      %swap3A_32 = tpu.vector_load %arg6[%swap3A, %swap3A_31] {strides = array<i32>} : memref<64x16xf32, #tpu.memory_space<vmem>>, vector<1x16xf32>,
      %swap3A_33 = vector.shape_cast %swap3A_32 : vector<1x16xf32> to vector<16xf32>
      %swap3A_34 = vector.shape_cast %broadcast_in_dim3A_30 : vector<16xf32> to vector<1x16xf32>
      tpu.vector_store %arg6[%swap3A, %swap3A_31], %swap3A_34 {strides = array<i32>} : memref<64x16xf32, #tpu.memory_space<vmem>>, vector<1x16xf32>,
    }
    %scan3A_4 = arith.constant 64 : i32
    %scan3A_5 = arith.constant 0 : i32
    %scan3A_6 = arith.constant 128 : i32
    %scan3A_7 = arith.addi %scan3A_5, %scan3A_6 : i32
    %scan3A_8 = arith.constant 1 : i32
    scf.for %scan3A_25 = %scan3A_5 to %scan3A_7 step %scan3A_8  : i32 {
      %mul3A_26 = arith.constant 1 : i32
      %mul3A_27 = arith.muli %scan3A_25, %mul3A_26 : i32
      %add3A_28 = arith.constant 0 : i32
      %add3A_29 = arith.addi %add3A_28, %mul3A_27 : i32
      %broadcast_in_dim3A = arith.constant 1.000000e+00 : f32
      %broadcast_in_dim3A_30 = vector.broadcast %broadcast_in_dim3A : f32 to vector<16xf32>
      %swap3A = arith.index_cast %add3A_29 : i32 to index
      %swap3A_31 = arith.constant 0 : index
      %swap3A_32 = tpu.vector_load %arg5[%swap3A, %swap3A_31] {strides = array<i32>} : memref<128x16xf32, #tpu.memory_space<vmem>>, vector<1x16xf32>,
      %swap3A_33 = vector.shape_cast %swap3A_32 : vector<1x16xf32> to vector<16xf32>
      %swap3A_34 = vector.shape_cast %broadcast_in_dim3A_30 : vector<16xf32> to vector<1x16xf32>
      tpu.vector_store %arg5[%swap3A, %swap3A_31], %swap3A_34 {strides = array<i32>} : memref<128x16xf32, #tpu.memory_space<vmem>>, vector<1x16xf32>,
    }
    %scan3A_9 = arith.constant 128 : i32
    %scan3A_10 = arith.constant 0 : i32
    %scan3A_11 = arith.constant 10 : i32
    %scan3A_12 = arith.addi %scan3A_10, %scan3A_11 : i32
    %scan3A_13 = arith.constant 1 : i32
    scf.for %scan3A_25 = %scan3A_10 to %scan3A_12 step %scan3A_13  : i32 {
      %mul3A_26 = arith.constant 1 : i32
      %mul3A_27 = arith.muli %scan3A_25, %mul3A_26 : i32
      %add3A_28 = arith.constant 0 : i32
      %add3A_29 = arith.addi %add3A_28, %mul3A_27 : i32
      %mul3A_30 = arith.constant 640 : i32
      %mul3A_31 = arith.muli %arg1, %mul3A_30 : i32
      %mul3A_32 = arith.constant 64 : i32
      %mul3A_33 = arith.muli %add3A_29, %mul3A_32 : i32
      %add3A_34 = arith.addi %mul3A_31, %mul3A_33 : i32
      "tpu.region"() ({
        %run_scoped3A = tpu.sem_alloc : memref<!tpu.dma_semaphore, #tpu.memory_space<semaphore_mem>>
        %dma_start3A = arith.constant 0 : i32
        %dma_start3A_35 = tpu.memref_slice %arg7[%add3A_34, %dma_start3A] : memref<10240x16xf32, #tpu.memory_space<vmem_shared>> -> memref<64x16xf32, #tpu.memory_space<vmem_shared>>
        %dma_start3A_36 = arith.constant 0 : i32
        %dma_start3A_37 = tpu.memref_slice %arg7[%add3A_34, %dma_start3A_36] : memref<10240x16xf32, #tpu.memory_space<vmem_shared>> -> memref<64x16xf32, #tpu.memory_space<vmem_shared>>
        tpu.enqueue_dma source(%arg6 : memref<64x16xf32, #tpu.memory_space<vmem>>) target(%dma_start3A_37 : memref<64x16xf32, #tpu.memory_space<vmem_shared>>) target_semaphore(%run_scoped3A : memref<!tpu.dma_semaphore, #tpu.memory_space<semaphore_mem>>)
        %dma_wait3A = arith.constant 0 : i32
        %dma_wait3A_38 = tpu.memref_slice %arg7[%add3A_34, %dma_wait3A] : memref<10240x16xf32, #tpu.memory_space<vmem_shared>> -> memref<64x16xf32, #tpu.memory_space<vmem_shared>>
        %dma_wait3A_39 = arith.constant 0 : i32
        %dma_wait3A_40 = tpu.memref_slice %arg7[%add3A_34, %dma_wait3A_39] : memref<10240x16xf32, #tpu.memory_space<vmem_shared>> -> memref<64x16xf32, #tpu.memory_space<vmem_shared>>
        tpu.wait_dma2 semaphore(%run_scoped3A : memref<!tpu.dma_semaphore, #tpu.memory_space<semaphore_mem>>) src(%arg6 : memref<64x16xf32, #tpu.memory_space<vmem>>) dst(%dma_wait3A_40 : memref<64x16xf32, #tpu.memory_space<vmem_shared>>)
        tpu.yield
      }) : () -> ()
    }
    %scan3A_14 = arith.constant 10 : i32
    "tpu.region"() ({
      %run_scoped3A = tpu.sem_alloc : memref<!tpu.dma_semaphore, #tpu.memory_space<semaphore_mem>>
      %dma_start3A = arith.constant 0 : i32
      %dma_start3A_25 = arith.constant 0 : i32
      %dma_start3A_26 = tpu.memref_slice %arg2[%add3A, %dma_start3A, %dma_start3A_25] : memref<32x40x128xi32, #tpu.memory_space<hbm>> -> memref<1x40x128xi32, #tpu.memory_space<hbm>>
      %dma_start3A_27 = tpu.memref_squeeze %dma_start3A_26 : memref<1x40x128xi32, #tpu.memory_space<hbm>> -> memref<40x128xi32, #tpu.memory_space<hbm>>
      %dma_start3A_28 = arith.constant 0 : i32
      %dma_start3A_29 = arith.constant 0 : i32
      %dma_start3A_30 = tpu.memref_slice %arg2[%add3A, %dma_start3A_28, %dma_start3A_29] : memref<32x40x128xi32, #tpu.memory_space<hbm>> -> memref<1x40x128xi32, #tpu.memory_space<hbm>>
      %dma_start3A_31 = tpu.memref_squeeze %dma_start3A_30 : memref<1x40x128xi32, #tpu.memory_space<hbm>> -> memref<40x128xi32, #tpu.memory_space<hbm>>
      tpu.enqueue_dma source(%dma_start3A_31 : memref<40x128xi32, #tpu.memory_space<hbm>>) target(%arg4 : memref<40x128xi32, #tpu.memory_space<vmem>>) target_semaphore(%run_scoped3A : memref<!tpu.dma_semaphore, #tpu.memory_space<semaphore_mem>>)
      %dma_wait3A = arith.constant 0 : i32
      %dma_wait3A_32 = arith.constant 0 : i32
      %dma_wait3A_33 = tpu.memref_slice %arg2[%add3A, %dma_wait3A, %dma_wait3A_32] : memref<32x40x128xi32, #tpu.memory_space<hbm>> -> memref<1x40x128xi32, #tpu.memory_space<hbm>>
      %dma_wait3A_34 = tpu.memref_squeeze %dma_wait3A_33 : memref<1x40x128xi32, #tpu.memory_space<hbm>> -> memref<40x128xi32, #tpu.memory_space<hbm>>
      %dma_wait3A_35 = arith.constant 0 : i32
      %dma_wait3A_36 = arith.constant 0 : i32
      %dma_wait3A_37 = tpu.memref_slice %arg2[%add3A, %dma_wait3A_35, %dma_wait3A_36] : memref<32x40x128xi32, #tpu.memory_space<hbm>> -> memref<1x40x128xi32, #tpu.memory_space<hbm>>
      %dma_wait3A_38 = tpu.memref_squeeze %dma_wait3A_37 : memref<1x40x128xi32, #tpu.memory_space<hbm>> -> memref<40x128xi32, #tpu.memory_space<hbm>>
      tpu.wait_dma2 semaphore(%run_scoped3A : memref<!tpu.dma_semaphore, #tpu.memory_space<semaphore_mem>>) src(%dma_wait3A_38 : memref<40x128xi32, #tpu.memory_space<hbm>>) dst(%arg4 : memref<40x128xi32, #tpu.memory_space<vmem>>)
      tpu.yield
    }) : () -> ()
    %barrier3A = arith.constant 0 : index
    tpu.barrier barrier_id(%barrier3A)
    %scan3A_15 = arith.constant 0 : i32
    %scan3A_16 = arith.constant 40 : i32
    %scan3A_17 = arith.addi %scan3A_15, %scan3A_16 : i32
    %scan3A_18 = arith.constant 1 : i32
    scf.for %scan3A_25 = %scan3A_15 to %scan3A_17 step %scan3A_18  : i32 {
      %mul3A_26 = arith.constant 1 : i32
      %mul3A_27 = arith.muli %scan3A_25, %mul3A_26 : i32
      %add3A_28 = arith.constant 0 : i32
      %add3A_29 = arith.addi %add3A_28, %mul3A_27 : i32
      "tpu.region"() ({
        %run_scoped3A = tpu.sem_alloc : memref<!tpu.dma_semaphore, #tpu.memory_space<semaphore_mem>>
        %dma_start3A = arith.constant 0 : i32
        %dma_start3A_30 = tpu.memref_slice %arg4[%add3A_29, %dma_start3A] : memref<40x128xi32, #tpu.memory_space<vmem>> -> memref<1x128xi32, #tpu.memory_space<vmem>>
        %dma_start3A_31 = tpu.memref_squeeze %dma_start3A_30 : memref<1x128xi32, #tpu.memory_space<vmem>> -> memref<128xi32, #tpu.memory_space<vmem>>
        %dma_start3A_32 = arith.constant 0 : i32
        %dma_start3A_33 = arith.constant 0 : i32
        %dma_start3A_34 = tpu.memref_slice %arg7[%dma_start3A_32, %dma_start3A_33] : memref<10240x16xf32, #tpu.memory_space<vmem_shared>> -> memref<10240x16xf32, #tpu.memory_space<vmem_shared>>
        tpu.enqueue_indirect_dma source(%arg5 : memref<128x16xf32, #tpu.memory_space<vmem>>) target(%dma_start3A_34 : memref<10240x16xf32, #tpu.memory_space<vmem_shared>>) offsets(%dma_start3A_31 : memref<128xi32, #tpu.memory_space<vmem>>) semaphore(%run_scoped3A : memref<!tpu.dma_semaphore, #tpu.memory_space<semaphore_mem>>) {add = true}
        %dma_wait3A = arith.constant 0 : i32
        %dma_wait3A_35 = tpu.memref_slice %arg4[%add3A_29, %dma_wait3A] : memref<40x128xi32, #tpu.memory_space<vmem>> -> memref<1x128xi32, #tpu.memory_space<vmem>>
        %dma_wait3A_36 = tpu.memref_squeeze %dma_wait3A_35 : memref<1x128xi32, #tpu.memory_space<vmem>> -> memref<128xi32, #tpu.memory_space<vmem>>
        %dma_wait3A_37 = arith.constant 0 : i32
        %dma_wait3A_38 = arith.constant 0 : i32
        %dma_wait3A_39 = tpu.memref_slice %arg7[%dma_wait3A_37, %dma_wait3A_38] : memref<10240x16xf32, #tpu.memory_space<vmem_shared>> -> memref<10240x16xf32, #tpu.memory_space<vmem_shared>>
        tpu.wait_indirect_dma semaphore(%run_scoped3A : memref<!tpu.dma_semaphore, #tpu.memory_space<semaphore_mem>>) src(%arg5 : memref<128x16xf32, #tpu.memory_space<vmem>>) dst(%dma_wait3A_39 : memref<10240x16xf32, #tpu.memory_space<vmem_shared>>)
        tpu.yield
      }) : () -> ()
    }
    %scan3A_19 = arith.constant 40 : i32
    %barrier3A_20 = arith.constant 0 : index
    tpu.barrier barrier_id(%barrier3A_20)
    %mul3A_21 = arith.constant 640 : i32
    %mul3A_22 = arith.muli %arg1, %mul3A_21 : i32
    %mul3A_23 = arith.constant 640 : i32
    %mul3A_24 = arith.muli %arg1, %mul3A_23 : i32
    "tpu.region"() ({
      %run_scoped3A = tpu.sem_alloc : memref<!tpu.dma_semaphore, #tpu.memory_space<semaphore_mem>>
      %dma_start3A = arith.constant 0 : i32
      %dma_start3A_25 = tpu.memref_slice %arg3[%arg0, %mul3A_24, %dma_start3A] : memref<2x10240x16xf32, #tpu.memory_space<hbm>> -> memref<1x640x16xf32, #tpu.memory_space<hbm>>
      %dma_start3A_26 = tpu.memref_squeeze %dma_start3A_25 : memref<1x640x16xf32, #tpu.memory_space<hbm>> -> memref<640x16xf32, #tpu.memory_space<hbm>>
      %dma_start3A_27 = arith.constant 0 : i32
      %dma_start3A_28 = tpu.memref_slice %arg7[%mul3A_22, %dma_start3A_27] : memref<10240x16xf32, #tpu.memory_space<vmem_shared>> -> memref<640x16xf32, #tpu.memory_space<vmem_shared>>
      tpu.enqueue_dma source(%dma_start3A_28 : memref<640x16xf32, #tpu.memory_space<vmem_shared>>) target(%dma_start3A_26 : memref<640x16xf32, #tpu.memory_space<hbm>>) target_semaphore(%run_scoped3A : memref<!tpu.dma_semaphore, #tpu.memory_space<semaphore_mem>>)
      %dma_wait3A = arith.constant 0 : i32
      %dma_wait3A_29 = tpu.memref_slice %arg3[%arg0, %mul3A_24, %dma_wait3A] : memref<2x10240x16xf32, #tpu.memory_space<hbm>> -> memref<1x640x16xf32, #tpu.memory_space<hbm>>
      %dma_wait3A_30 = tpu.memref_squeeze %dma_wait3A_29 : memref<1x640x16xf32, #tpu.memory_space<hbm>> -> memref<640x16xf32, #tpu.memory_space<hbm>>
      %dma_wait3A_31 = arith.constant 0 : i32
      %dma_wait3A_32 = tpu.memref_slice %arg7[%mul3A_22, %dma_wait3A_31] : memref<10240x16xf32, #tpu.memory_space<vmem_shared>> -> memref<640x16xf32, #tpu.memory_space<vmem_shared>>
      tpu.wait_dma2 semaphore(%run_scoped3A : memref<!tpu.dma_semaphore, #tpu.memory_space<semaphore_mem>>) src(%dma_wait3A_32 : memref<640x16xf32, #tpu.memory_space<vmem_shared>>) dst(%dma_wait3A_30 : memref<640x16xf32, #tpu.memory_space<hbm>>)
      tpu.yield
    }) : () -> ()
    return
  }
}

#map = affine_map<(d0, d1) -> (0, 0)>
#map1 = affine_map<(d0, d1) -> (0, 0, 0)>
module attributes {stable_mosaic.version = 14 : i64} {
  func.func @k(%arg0: i32, %arg1: i32, %arg2: memref<10000x128xf32, #tpu.memory_space<hbm>>, %arg3: memref<10000x128xf32, #tpu.memory_space<hbm>>, %arg4: memref<32x40x128xi32, #tpu.memory_space<hbm>>, %arg5: memref<32x40x128xi32, #tpu.memory_space<hbm>>, %arg6: memref<2x10240x128xf32, #tpu.memory_space<hbm>>, %arg7: memref<40x128xi32, #tpu.memory_space<vmem>>, %arg8: memref<40x128xi32, #tpu.memory_space<vmem>>, %arg9: memref<128x128xf32, #tpu.memory_space<vmem>>, %arg10: memref<128x128xf32, #tpu.memory_space<vmem>>, %arg11: memref<!tpu.dma_semaphore, #tpu.memory_space<semaphore_mem>>, %arg12: memref<!tpu.dma_semaphore, #tpu.memory_space<semaphore_mem>>, %arg13: memref<10240x128xf32, #tpu.memory_space<vmem_shared>>) attributes {dimension_semantics = [#tpu.dimension_semantics<core_parallel>, #tpu.dimension_semantics<subcore_parallel>], iteration_bounds = array<i64: 2, 16>, scalar_prefetch = 0 : i64, scratch_operands = 7 : i64, tpu.core_type = #tpu.core_type<sc_vector_subcore>, window_params = [{transform_indices = #map}, {transform_indices = #map}, {transform_indices = #map1}, {transform_indices = #map1}, {transform_indices = #map1}]} {
    %scan3A = arith.constant 0 : i32
    %scan3A_0 = arith.constant 128 : i32
    %scan3A_1 = arith.addi %scan3A, %scan3A_0 : i32
    %scan3A_2 = arith.constant 1 : i32
    scf.for %scan3A_47 = %scan3A to %scan3A_1 step %scan3A_2  : i32 {
      %mul3A_48 = arith.constant 1 : i32
      %mul3A_49 = arith.muli %scan3A_47, %mul3A_48 : i32
      %add3A_50 = arith.constant 0 : i32
      %add3A_51 = arith.addi %add3A_50, %mul3A_49 : i32
      %scan3A_52 = arith.constant 0 : i32
      %scan3A_53 = arith.constant 8 : i32
      %scan3A_54 = arith.addi %scan3A_52, %scan3A_53 : i32
      %scan3A_55 = arith.constant 1 : i32
      scf.for %scan3A_57 = %scan3A_52 to %scan3A_54 step %scan3A_55  : i32 {
        %mul3A_58 = arith.constant 1 : i32
        %mul3A_59 = arith.muli %scan3A_57, %mul3A_58 : i32
        %add3A_60 = arith.constant 0 : i32
        %add3A_61 = arith.addi %add3A_60, %mul3A_59 : i32
        %broadcast_in_dim3A = arith.constant 0.000000e+00 : f32
        %broadcast_in_dim3A_62 = vector.broadcast %broadcast_in_dim3A : f32 to vector<16xf32>
        %mul3A_63 = arith.constant 16 : i32
        %mul3A_64 = arith.muli %add3A_61, %mul3A_63 : i32
        %swap3A = arith.index_cast %add3A_51 : i32 to index
        %swap3A_65 = arith.index_cast %mul3A_64 : i32 to index
        %swap3A_66 = tpu.vector_load %arg9[%swap3A, %swap3A_65] {strides = array<i32>} : memref<128x128xf32, #tpu.memory_space<vmem>>, vector<1x16xf32>,
        %swap3A_67 = vector.shape_cast %swap3A_66 : vector<1x16xf32> to vector<16xf32>
        %swap3A_68 = vector.shape_cast %broadcast_in_dim3A_62 : vector<16xf32> to vector<1x16xf32>
        tpu.vector_store %arg9[%swap3A, %swap3A_65], %swap3A_68 {strides = array<i32>} : memref<128x128xf32, #tpu.memory_space<vmem>>, vector<1x16xf32>,
      }
      %scan3A_56 = arith.constant 8 : i32
    }
    %scan3A_3 = arith.constant 128 : i32
    %scan3A_4 = arith.constant 0 : i32
    %scan3A_5 = arith.constant 5 : i32
    %scan3A_6 = arith.addi %scan3A_4, %scan3A_5 : i32
    %scan3A_7 = arith.constant 1 : i32
    scf.for %scan3A_47 = %scan3A_4 to %scan3A_6 step %scan3A_7  : i32 {
      %mul3A_48 = arith.constant 1 : i32
      %mul3A_49 = arith.muli %scan3A_47, %mul3A_48 : i32
      %add3A_50 = arith.constant 0 : i32
      %add3A_51 = arith.addi %add3A_50, %mul3A_49 : i32
      %mul3A_52 = arith.constant 640 : i32
      %mul3A_53 = arith.muli %arg1, %mul3A_52 : i32
      %mul3A_54 = arith.constant 128 : i32
      %mul3A_55 = arith.muli %add3A_51, %mul3A_54 : i32
      %add3A_56 = arith.addi %mul3A_53, %mul3A_55 : i32
      "tpu.region"() ({
        %run_scoped3A = tpu.sem_alloc : memref<!tpu.dma_semaphore, #tpu.memory_space<semaphore_mem>>
        %dma_start3A = arith.constant 0 : i32
        %dma_start3A_57 = tpu.memref_slice %arg13[%add3A_56, %dma_start3A] : memref<10240x128xf32, #tpu.memory_space<vmem_shared>> -> memref<128x128xf32, #tpu.memory_space<vmem_shared>>
        %dma_start3A_58 = arith.constant 0 : i32
        %dma_start3A_59 = tpu.memref_slice %arg13[%add3A_56, %dma_start3A_58] : memref<10240x128xf32, #tpu.memory_space<vmem_shared>> -> memref<128x128xf32, #tpu.memory_space<vmem_shared>>
        tpu.enqueue_dma source(%arg9 : memref<128x128xf32, #tpu.memory_space<vmem>>) target(%dma_start3A_59 : memref<128x128xf32, #tpu.memory_space<vmem_shared>>) target_semaphore(%run_scoped3A : memref<!tpu.dma_semaphore, #tpu.memory_space<semaphore_mem>>)
        %dma_wait3A = arith.constant 0 : i32
        %dma_wait3A_60 = tpu.memref_slice %arg13[%add3A_56, %dma_wait3A] : memref<10240x128xf32, #tpu.memory_space<vmem_shared>> -> memref<128x128xf32, #tpu.memory_space<vmem_shared>>
        %dma_wait3A_61 = arith.constant 0 : i32
        %dma_wait3A_62 = tpu.memref_slice %arg13[%add3A_56, %dma_wait3A_61] : memref<10240x128xf32, #tpu.memory_space<vmem_shared>> -> memref<128x128xf32, #tpu.memory_space<vmem_shared>>
        tpu.wait_dma2 semaphore(%run_scoped3A : memref<!tpu.dma_semaphore, #tpu.memory_space<semaphore_mem>>) src(%arg9 : memref<128x128xf32, #tpu.memory_space<vmem>>) dst(%dma_wait3A_62 : memref<128x128xf32, #tpu.memory_space<vmem_shared>>)
        tpu.yield
      }) : () -> ()
    }
    %scan3A_8 = arith.constant 5 : i32
    %barrier3A = arith.constant 0 : index
    tpu.barrier barrier_id(%barrier3A)
    %add3A = arith.constant 0 : i32
    %add3A_9 = arith.addi %add3A, %arg1 : i32
    "tpu.region"() ({
      %run_scoped3A = tpu.sem_alloc : memref<!tpu.dma_semaphore, #tpu.memory_space<semaphore_mem>>
      %dma_start3A = arith.constant 0 : i32
      %dma_start3A_47 = arith.constant 0 : i32
      %dma_start3A_48 = tpu.memref_slice %arg4[%add3A_9, %dma_start3A, %dma_start3A_47] : memref<32x40x128xi32, #tpu.memory_space<hbm>> -> memref<1x40x128xi32, #tpu.memory_space<hbm>>
      %dma_start3A_49 = tpu.memref_squeeze %dma_start3A_48 : memref<1x40x128xi32, #tpu.memory_space<hbm>> -> memref<40x128xi32, #tpu.memory_space<hbm>>
      %dma_start3A_50 = arith.constant 0 : i32
      %dma_start3A_51 = arith.constant 0 : i32
      %dma_start3A_52 = tpu.memref_slice %arg4[%add3A_9, %dma_start3A_50, %dma_start3A_51] : memref<32x40x128xi32, #tpu.memory_space<hbm>> -> memref<1x40x128xi32, #tpu.memory_space<hbm>>
      %dma_start3A_53 = tpu.memref_squeeze %dma_start3A_52 : memref<1x40x128xi32, #tpu.memory_space<hbm>> -> memref<40x128xi32, #tpu.memory_space<hbm>>
      tpu.enqueue_dma source(%dma_start3A_53 : memref<40x128xi32, #tpu.memory_space<hbm>>) target(%arg7 : memref<40x128xi32, #tpu.memory_space<vmem>>) target_semaphore(%run_scoped3A : memref<!tpu.dma_semaphore, #tpu.memory_space<semaphore_mem>>)
      %dma_wait3A = arith.constant 0 : i32
      %dma_wait3A_54 = arith.constant 0 : i32
      %dma_wait3A_55 = tpu.memref_slice %arg4[%add3A_9, %dma_wait3A, %dma_wait3A_54] : memref<32x40x128xi32, #tpu.memory_space<hbm>> -> memref<1x40x128xi32, #tpu.memory_space<hbm>>
      %dma_wait3A_56 = tpu.memref_squeeze %dma_wait3A_55 : memref<1x40x128xi32, #tpu.memory_space<hbm>> -> memref<40x128xi32, #tpu.memory_space<hbm>>
      %dma_wait3A_57 = arith.constant 0 : i32
      %dma_wait3A_58 = arith.constant 0 : i32
      %dma_wait3A_59 = tpu.memref_slice %arg4[%add3A_9, %dma_wait3A_57, %dma_wait3A_58] : memref<32x40x128xi32, #tpu.memory_space<hbm>> -> memref<1x40x128xi32, #tpu.memory_space<hbm>>
      %dma_wait3A_60 = tpu.memref_squeeze %dma_wait3A_59 : memref<1x40x128xi32, #tpu.memory_space<hbm>> -> memref<40x128xi32, #tpu.memory_space<hbm>>
      tpu.wait_dma2 semaphore(%run_scoped3A : memref<!tpu.dma_semaphore, #tpu.memory_space<semaphore_mem>>) src(%dma_wait3A_60 : memref<40x128xi32, #tpu.memory_space<hbm>>) dst(%arg7 : memref<40x128xi32, #tpu.memory_space<vmem>>)
      tpu.yield
    }) : () -> ()
    "tpu.region"() ({
      %run_scoped3A = tpu.sem_alloc : memref<!tpu.dma_semaphore, #tpu.memory_space<semaphore_mem>>
      %dma_start3A = arith.constant 0 : i32
      %dma_start3A_47 = arith.constant 0 : i32
      %dma_start3A_48 = tpu.memref_slice %arg5[%add3A_9, %dma_start3A, %dma_start3A_47] : memref<32x40x128xi32, #tpu.memory_space<hbm>> -> memref<1x40x128xi32, #tpu.memory_space<hbm>>
      %dma_start3A_49 = tpu.memref_squeeze %dma_start3A_48 : memref<1x40x128xi32, #tpu.memory_space<hbm>> -> memref<40x128xi32, #tpu.memory_space<hbm>>
      %dma_start3A_50 = arith.constant 0 : i32
      %dma_start3A_51 = arith.constant 0 : i32
      %dma_start3A_52 = tpu.memref_slice %arg5[%add3A_9, %dma_start3A_50, %dma_start3A_51] : memref<32x40x128xi32, #tpu.memory_space<hbm>> -> memref<1x40x128xi32, #tpu.memory_space<hbm>>
      %dma_start3A_53 = tpu.memref_squeeze %dma_start3A_52 : memref<1x40x128xi32, #tpu.memory_space<hbm>> -> memref<40x128xi32, #tpu.memory_space<hbm>>
      tpu.enqueue_dma source(%dma_start3A_53 : memref<40x128xi32, #tpu.memory_space<hbm>>) target(%arg8 : memref<40x128xi32, #tpu.memory_space<vmem>>) target_semaphore(%run_scoped3A : memref<!tpu.dma_semaphore, #tpu.memory_space<semaphore_mem>>)
      %dma_wait3A = arith.constant 0 : i32
      %dma_wait3A_54 = arith.constant 0 : i32
      %dma_wait3A_55 = tpu.memref_slice %arg5[%add3A_9, %dma_wait3A, %dma_wait3A_54] : memref<32x40x128xi32, #tpu.memory_space<hbm>> -> memref<1x40x128xi32, #tpu.memory_space<hbm>>
      %dma_wait3A_56 = tpu.memref_squeeze %dma_wait3A_55 : memref<1x40x128xi32, #tpu.memory_space<hbm>> -> memref<40x128xi32, #tpu.memory_space<hbm>>
      %dma_wait3A_57 = arith.constant 0 : i32
      %dma_wait3A_58 = arith.constant 0 : i32
      %dma_wait3A_59 = tpu.memref_slice %arg5[%add3A_9, %dma_wait3A_57, %dma_wait3A_58] : memref<32x40x128xi32, #tpu.memory_space<hbm>> -> memref<1x40x128xi32, #tpu.memory_space<hbm>>
      %dma_wait3A_60 = tpu.memref_squeeze %dma_wait3A_59 : memref<1x40x128xi32, #tpu.memory_space<hbm>> -> memref<40x128xi32, #tpu.memory_space<hbm>>
      tpu.wait_dma2 semaphore(%run_scoped3A : memref<!tpu.dma_semaphore, #tpu.memory_space<semaphore_mem>>) src(%dma_wait3A_60 : memref<40x128xi32, #tpu.memory_space<hbm>>) dst(%arg8 : memref<40x128xi32, #tpu.memory_space<vmem>>)
      tpu.yield
    }) : () -> ()
    %eq3A = arith.constant 0 : i32
    %eq3A_10 = arith.cmpi eq, %arg0, %eq3A : i32
    %convert_element_type3A = arith.extui %eq3A_10 : i1 to i32
    %cond3A = arith.constant 0 : i32
    %cond3A_11 = arith.constant 0 : i32
    %cond3A_12 = arith.cmpi ne, %convert_element_type3A, %cond3A_11 : i32
    scf.if %cond3A_12 {
      %dma_start3A = arith.constant 0 : i32
      %dma_start3A_47 = tpu.memref_slice %arg7[%cond3A, %dma_start3A] : memref<40x128xi32, #tpu.memory_space<vmem>> -> memref<1x128xi32, #tpu.memory_space<vmem>>
      %dma_start3A_48 = tpu.memref_squeeze %dma_start3A_47 : memref<1x128xi32, #tpu.memory_space<vmem>> -> memref<128xi32, #tpu.memory_space<vmem>>
      %dma_start3A_49 = arith.constant 0 : i32
      %dma_start3A_50 = arith.constant 0 : i32
      %dma_start3A_51 = tpu.memref_slice %arg2[%dma_start3A_49, %dma_start3A_50] : memref<10000x128xf32, #tpu.memory_space<hbm>> -> memref<10000x128xf32, #tpu.memory_space<hbm>>
      tpu.enqueue_indirect_dma source(%dma_start3A_51 : memref<10000x128xf32, #tpu.memory_space<hbm>>) target(%arg9 : memref<128x128xf32, #tpu.memory_space<vmem>>) offsets(%dma_start3A_48 : memref<128xi32, #tpu.memory_space<vmem>>) semaphore(%arg11 : memref<!tpu.dma_semaphore, #tpu.memory_space<semaphore_mem>>)
    } else {
    }
    %eq3A_13 = arith.constant 1 : i32
    %eq3A_14 = arith.cmpi eq, %arg0, %eq3A_13 : i32
    %convert_element_type3A_15 = arith.extui %eq3A_14 : i1 to i32
    %cond3A_16 = arith.constant 0 : i32
    %cond3A_17 = arith.constant 0 : i32
    %cond3A_18 = arith.cmpi ne, %convert_element_type3A_15, %cond3A_17 : i32
    scf.if %cond3A_18 {
      %dma_start3A = arith.constant 0 : i32
      %dma_start3A_47 = tpu.memref_slice %arg7[%cond3A_16, %dma_start3A] : memref<40x128xi32, #tpu.memory_space<vmem>> -> memref<1x128xi32, #tpu.memory_space<vmem>>
      %dma_start3A_48 = tpu.memref_squeeze %dma_start3A_47 : memref<1x128xi32, #tpu.memory_space<vmem>> -> memref<128xi32, #tpu.memory_space<vmem>>
      %dma_start3A_49 = arith.constant 0 : i32
      %dma_start3A_50 = arith.constant 0 : i32
      %dma_start3A_51 = tpu.memref_slice %arg3[%dma_start3A_49, %dma_start3A_50] : memref<10000x128xf32, #tpu.memory_space<hbm>> -> memref<10000x128xf32, #tpu.memory_space<hbm>>
      tpu.enqueue_indirect_dma source(%dma_start3A_51 : memref<10000x128xf32, #tpu.memory_space<hbm>>) target(%arg9 : memref<128x128xf32, #tpu.memory_space<vmem>>) offsets(%dma_start3A_48 : memref<128xi32, #tpu.memory_space<vmem>>) semaphore(%arg11 : memref<!tpu.dma_semaphore, #tpu.memory_space<semaphore_mem>>)
    } else {
    }
    %scan3A_19 = arith.constant 0 : i32
    %scan3A_20 = arith.constant 20 : i32
    %scan3A_21 = arith.addi %scan3A_19, %scan3A_20 : i32
    %scan3A_22 = arith.constant 1 : i32
    scf.for %scan3A_47 = %scan3A_19 to %scan3A_21 step %scan3A_22  : i32 {
      %mul3A_48 = arith.constant 2 : i32
      %mul3A_49 = arith.muli %scan3A_47, %mul3A_48 : i32
      %add3A_50 = arith.constant 0 : i32
      %add3A_51 = arith.addi %add3A_50, %mul3A_49 : i32
      %add3A_52 = arith.constant 0 : i32
      %add3A_53 = arith.addi %add3A_51, %add3A_52 : i32
      %eq3A_54 = arith.constant 0 : i32
      %eq3A_55 = arith.cmpi eq, %arg0, %eq3A_54 : i32
      %convert_element_type3A_56 = arith.extui %eq3A_55 : i1 to i32
      %cond3A_57 = arith.constant 0 : i32
      %cond3A_58 = arith.cmpi ne, %convert_element_type3A_56, %cond3A_57 : i32
      scf.if %cond3A_58 {
        %dma_wait3A = arith.constant 0 : i32
        %dma_wait3A_89 = tpu.memref_slice %arg7[%add3A_53, %dma_wait3A] : memref<40x128xi32, #tpu.memory_space<vmem>> -> memref<1x128xi32, #tpu.memory_space<vmem>>
        %dma_wait3A_90 = tpu.memref_squeeze %dma_wait3A_89 : memref<1x128xi32, #tpu.memory_space<vmem>> -> memref<128xi32, #tpu.memory_space<vmem>>
        %dma_wait3A_91 = arith.constant 0 : i32
        %dma_wait3A_92 = arith.constant 0 : i32
        %dma_wait3A_93 = tpu.memref_slice %arg2[%dma_wait3A_91, %dma_wait3A_92] : memref<10000x128xf32, #tpu.memory_space<hbm>> -> memref<10000x128xf32, #tpu.memory_space<hbm>>
        tpu.wait_indirect_dma semaphore(%arg11 : memref<!tpu.dma_semaphore, #tpu.memory_space<semaphore_mem>>) src(%dma_wait3A_93 : memref<10000x128xf32, #tpu.memory_space<hbm>>) dst(%arg9 : memref<128x128xf32, #tpu.memory_space<vmem>>)
      } else {
      }
      %eq3A_59 = arith.constant 1 : i32
      %eq3A_60 = arith.cmpi eq, %arg0, %eq3A_59 : i32
      %convert_element_type3A_61 = arith.extui %eq3A_60 : i1 to i32
      %cond3A_62 = arith.constant 0 : i32
      %cond3A_63 = arith.cmpi ne, %convert_element_type3A_61, %cond3A_62 : i32
      scf.if %cond3A_63 {
        %dma_wait3A = arith.constant 0 : i32
        %dma_wait3A_89 = tpu.memref_slice %arg7[%add3A_53, %dma_wait3A] : memref<40x128xi32, #tpu.memory_space<vmem>> -> memref<1x128xi32, #tpu.memory_space<vmem>>
        %dma_wait3A_90 = tpu.memref_squeeze %dma_wait3A_89 : memref<1x128xi32, #tpu.memory_space<vmem>> -> memref<128xi32, #tpu.memory_space<vmem>>
        %dma_wait3A_91 = arith.constant 0 : i32
        %dma_wait3A_92 = arith.constant 0 : i32
        %dma_wait3A_93 = tpu.memref_slice %arg3[%dma_wait3A_91, %dma_wait3A_92] : memref<10000x128xf32, #tpu.memory_space<hbm>> -> memref<10000x128xf32, #tpu.memory_space<hbm>>
        tpu.wait_indirect_dma semaphore(%arg11 : memref<!tpu.dma_semaphore, #tpu.memory_space<semaphore_mem>>) src(%dma_wait3A_93 : memref<10000x128xf32, #tpu.memory_space<hbm>>) dst(%arg9 : memref<128x128xf32, #tpu.memory_space<vmem>>)
      } else {
      }
      %add3A_64 = arith.constant 1 : i32
      %add3A_65 = arith.addi %add3A_53, %add3A_64 : i32
      %lt3A = arith.constant 40 : i32
      %lt3A_66 = arith.cmpi slt, %add3A_65, %lt3A : i32
      %convert_element_type3A_67 = arith.extui %lt3A_66 : i1 to i32
      %cond3A_68 = arith.constant 0 : i32
      %cond3A_69 = arith.cmpi ne, %convert_element_type3A_67, %cond3A_68 : i32
      scf.if %cond3A_69 {
        %add3A_89 = arith.constant 1 : i32
        %add3A_90 = arith.addi %add3A_53, %add3A_89 : i32
        %eq3A_91 = arith.constant 0 : i32
        %eq3A_92 = arith.cmpi eq, %arg0, %eq3A_91 : i32
        %convert_element_type3A_93 = arith.extui %eq3A_92 : i1 to i32
        %cond3A_94 = arith.constant 0 : i32
        %cond3A_95 = arith.cmpi ne, %convert_element_type3A_93, %cond3A_94 : i32
        scf.if %cond3A_95 {
          %dma_start3A = arith.constant 0 : i32
          %dma_start3A_101 = tpu.memref_slice %arg7[%add3A_90, %dma_start3A] : memref<40x128xi32, #tpu.memory_space<vmem>> -> memref<1x128xi32, #tpu.memory_space<vmem>>
          %dma_start3A_102 = tpu.memref_squeeze %dma_start3A_101 : memref<1x128xi32, #tpu.memory_space<vmem>> -> memref<128xi32, #tpu.memory_space<vmem>>
          %dma_start3A_103 = arith.constant 0 : i32
          %dma_start3A_104 = arith.constant 0 : i32
          %dma_start3A_105 = tpu.memref_slice %arg2[%dma_start3A_103, %dma_start3A_104] : memref<10000x128xf32, #tpu.memory_space<hbm>> -> memref<10000x128xf32, #tpu.memory_space<hbm>>
          tpu.enqueue_indirect_dma source(%dma_start3A_105 : memref<10000x128xf32, #tpu.memory_space<hbm>>) target(%arg10 : memref<128x128xf32, #tpu.memory_space<vmem>>) offsets(%dma_start3A_102 : memref<128xi32, #tpu.memory_space<vmem>>) semaphore(%arg12 : memref<!tpu.dma_semaphore, #tpu.memory_space<semaphore_mem>>)
        } else {
        }
        %eq3A_96 = arith.constant 1 : i32
        %eq3A_97 = arith.cmpi eq, %arg0, %eq3A_96 : i32
        %convert_element_type3A_98 = arith.extui %eq3A_97 : i1 to i32
        %cond3A_99 = arith.constant 0 : i32
        %cond3A_100 = arith.cmpi ne, %convert_element_type3A_98, %cond3A_99 : i32
        scf.if %cond3A_100 {
          %dma_start3A = arith.constant 0 : i32
          %dma_start3A_101 = tpu.memref_slice %arg7[%add3A_90, %dma_start3A] : memref<40x128xi32, #tpu.memory_space<vmem>> -> memref<1x128xi32, #tpu.memory_space<vmem>>
          %dma_start3A_102 = tpu.memref_squeeze %dma_start3A_101 : memref<1x128xi32, #tpu.memory_space<vmem>> -> memref<128xi32, #tpu.memory_space<vmem>>
          %dma_start3A_103 = arith.constant 0 : i32
          %dma_start3A_104 = arith.constant 0 : i32
          %dma_start3A_105 = tpu.memref_slice %arg3[%dma_start3A_103, %dma_start3A_104] : memref<10000x128xf32, #tpu.memory_space<hbm>> -> memref<10000x128xf32, #tpu.memory_space<hbm>>
          tpu.enqueue_indirect_dma source(%dma_start3A_105 : memref<10000x128xf32, #tpu.memory_space<hbm>>) target(%arg10 : memref<128x128xf32, #tpu.memory_space<vmem>>) offsets(%dma_start3A_102 : memref<128xi32, #tpu.memory_space<vmem>>) semaphore(%arg12 : memref<!tpu.dma_semaphore, #tpu.memory_space<semaphore_mem>>)
        } else {
        }
      } else {
      }
      "tpu.region"() ({
        %run_scoped3A = tpu.sem_alloc : memref<!tpu.dma_semaphore, #tpu.memory_space<semaphore_mem>>
        %dma_start3A = arith.constant 0 : i32
        %dma_start3A_89 = tpu.memref_slice %arg8[%add3A_53, %dma_start3A] : memref<40x128xi32, #tpu.memory_space<vmem>> -> memref<1x128xi32, #tpu.memory_space<vmem>>
        %dma_start3A_90 = tpu.memref_squeeze %dma_start3A_89 : memref<1x128xi32, #tpu.memory_space<vmem>> -> memref<128xi32, #tpu.memory_space<vmem>>
        %dma_start3A_91 = arith.constant 0 : i32
        %dma_start3A_92 = arith.constant 0 : i32
        %dma_start3A_93 = tpu.memref_slice %arg13[%dma_start3A_91, %dma_start3A_92] : memref<10240x128xf32, #tpu.memory_space<vmem_shared>> -> memref<10240x128xf32, #tpu.memory_space<vmem_shared>>
        tpu.enqueue_indirect_dma source(%arg9 : memref<128x128xf32, #tpu.memory_space<vmem>>) target(%dma_start3A_93 : memref<10240x128xf32, #tpu.memory_space<vmem_shared>>) offsets(%dma_start3A_90 : memref<128xi32, #tpu.memory_space<vmem>>) semaphore(%run_scoped3A : memref<!tpu.dma_semaphore, #tpu.memory_space<semaphore_mem>>) {add = true}
        %dma_wait3A = arith.constant 0 : i32
        %dma_wait3A_94 = tpu.memref_slice %arg8[%add3A_53, %dma_wait3A] : memref<40x128xi32, #tpu.memory_space<vmem>> -> memref<1x128xi32, #tpu.memory_space<vmem>>
        %dma_wait3A_95 = tpu.memref_squeeze %dma_wait3A_94 : memref<1x128xi32, #tpu.memory_space<vmem>> -> memref<128xi32, #tpu.memory_space<vmem>>
        %dma_wait3A_96 = arith.constant 0 : i32
        %dma_wait3A_97 = arith.constant 0 : i32
        %dma_wait3A_98 = tpu.memref_slice %arg13[%dma_wait3A_96, %dma_wait3A_97] : memref<10240x128xf32, #tpu.memory_space<vmem_shared>> -> memref<10240x128xf32, #tpu.memory_space<vmem_shared>>
        tpu.wait_indirect_dma semaphore(%run_scoped3A : memref<!tpu.dma_semaphore, #tpu.memory_space<semaphore_mem>>) src(%arg9 : memref<128x128xf32, #tpu.memory_space<vmem>>) dst(%dma_wait3A_98 : memref<10240x128xf32, #tpu.memory_space<vmem_shared>>)
        tpu.yield
      }) : () -> ()
      %add3A_70 = arith.constant 1 : i32
      %add3A_71 = arith.addi %add3A_51, %add3A_70 : i32
      %eq3A_72 = arith.constant 0 : i32
      %eq3A_73 = arith.cmpi eq, %arg0, %eq3A_72 : i32
      %convert_element_type3A_74 = arith.extui %eq3A_73 : i1 to i32
      %cond3A_75 = arith.constant 0 : i32
      %cond3A_76 = arith.cmpi ne, %convert_element_type3A_74, %cond3A_75 : i32
      scf.if %cond3A_76 {
        %dma_wait3A = arith.constant 0 : i32
        %dma_wait3A_89 = tpu.memref_slice %arg7[%add3A_71, %dma_wait3A] : memref<40x128xi32, #tpu.memory_space<vmem>> -> memref<1x128xi32, #tpu.memory_space<vmem>>
        %dma_wait3A_90 = tpu.memref_squeeze %dma_wait3A_89 : memref<1x128xi32, #tpu.memory_space<vmem>> -> memref<128xi32, #tpu.memory_space<vmem>>
        %dma_wait3A_91 = arith.constant 0 : i32
        %dma_wait3A_92 = arith.constant 0 : i32
        %dma_wait3A_93 = tpu.memref_slice %arg2[%dma_wait3A_91, %dma_wait3A_92] : memref<10000x128xf32, #tpu.memory_space<hbm>> -> memref<10000x128xf32, #tpu.memory_space<hbm>>
        tpu.wait_indirect_dma semaphore(%arg12 : memref<!tpu.dma_semaphore, #tpu.memory_space<semaphore_mem>>) src(%dma_wait3A_93 : memref<10000x128xf32, #tpu.memory_space<hbm>>) dst(%arg10 : memref<128x128xf32, #tpu.memory_space<vmem>>)
      } else {
      }
      %eq3A_77 = arith.constant 1 : i32
      %eq3A_78 = arith.cmpi eq, %arg0, %eq3A_77 : i32
      %convert_element_type3A_79 = arith.extui %eq3A_78 : i1 to i32
      %cond3A_80 = arith.constant 0 : i32
      %cond3A_81 = arith.cmpi ne, %convert_element_type3A_79, %cond3A_80 : i32
      scf.if %cond3A_81 {
        %dma_wait3A = arith.constant 0 : i32
        %dma_wait3A_89 = tpu.memref_slice %arg7[%add3A_71, %dma_wait3A] : memref<40x128xi32, #tpu.memory_space<vmem>> -> memref<1x128xi32, #tpu.memory_space<vmem>>
        %dma_wait3A_90 = tpu.memref_squeeze %dma_wait3A_89 : memref<1x128xi32, #tpu.memory_space<vmem>> -> memref<128xi32, #tpu.memory_space<vmem>>
        %dma_wait3A_91 = arith.constant 0 : i32
        %dma_wait3A_92 = arith.constant 0 : i32
        %dma_wait3A_93 = tpu.memref_slice %arg3[%dma_wait3A_91, %dma_wait3A_92] : memref<10000x128xf32, #tpu.memory_space<hbm>> -> memref<10000x128xf32, #tpu.memory_space<hbm>>
        tpu.wait_indirect_dma semaphore(%arg12 : memref<!tpu.dma_semaphore, #tpu.memory_space<semaphore_mem>>) src(%dma_wait3A_93 : memref<10000x128xf32, #tpu.memory_space<hbm>>) dst(%arg10 : memref<128x128xf32, #tpu.memory_space<vmem>>)
      } else {
      }
      %add3A_82 = arith.constant 1 : i32
      %add3A_83 = arith.addi %add3A_71, %add3A_82 : i32
      %lt3A_84 = arith.constant 40 : i32
      %lt3A_85 = arith.cmpi slt, %add3A_83, %lt3A_84 : i32
      %convert_element_type3A_86 = arith.extui %lt3A_85 : i1 to i32
      %cond3A_87 = arith.constant 0 : i32
      %cond3A_88 = arith.cmpi ne, %convert_element_type3A_86, %cond3A_87 : i32
      scf.if %cond3A_88 {
        %add3A_89 = arith.constant 1 : i32
        %add3A_90 = arith.addi %add3A_71, %add3A_89 : i32
        %eq3A_91 = arith.constant 0 : i32
        %eq3A_92 = arith.cmpi eq, %arg0, %eq3A_91 : i32
        %convert_element_type3A_93 = arith.extui %eq3A_92 : i1 to i32
        %cond3A_94 = arith.constant 0 : i32
        %cond3A_95 = arith.cmpi ne, %convert_element_type3A_93, %cond3A_94 : i32
        scf.if %cond3A_95 {
          %dma_start3A = arith.constant 0 : i32
          %dma_start3A_101 = tpu.memref_slice %arg7[%add3A_90, %dma_start3A] : memref<40x128xi32, #tpu.memory_space<vmem>> -> memref<1x128xi32, #tpu.memory_space<vmem>>
          %dma_start3A_102 = tpu.memref_squeeze %dma_start3A_101 : memref<1x128xi32, #tpu.memory_space<vmem>> -> memref<128xi32, #tpu.memory_space<vmem>>
          %dma_start3A_103 = arith.constant 0 : i32
          %dma_start3A_104 = arith.constant 0 : i32
          %dma_start3A_105 = tpu.memref_slice %arg2[%dma_start3A_103, %dma_start3A_104] : memref<10000x128xf32, #tpu.memory_space<hbm>> -> memref<10000x128xf32, #tpu.memory_space<hbm>>
          tpu.enqueue_indirect_dma source(%dma_start3A_105 : memref<10000x128xf32, #tpu.memory_space<hbm>>) target(%arg9 : memref<128x128xf32, #tpu.memory_space<vmem>>) offsets(%dma_start3A_102 : memref<128xi32, #tpu.memory_space<vmem>>) semaphore(%arg11 : memref<!tpu.dma_semaphore, #tpu.memory_space<semaphore_mem>>)
        } else {
        }
        %eq3A_96 = arith.constant 1 : i32
        %eq3A_97 = arith.cmpi eq, %arg0, %eq3A_96 : i32
        %convert_element_type3A_98 = arith.extui %eq3A_97 : i1 to i32
        %cond3A_99 = arith.constant 0 : i32
        %cond3A_100 = arith.cmpi ne, %convert_element_type3A_98, %cond3A_99 : i32
        scf.if %cond3A_100 {
          %dma_start3A = arith.constant 0 : i32
          %dma_start3A_101 = tpu.memref_slice %arg7[%add3A_90, %dma_start3A] : memref<40x128xi32, #tpu.memory_space<vmem>> -> memref<1x128xi32, #tpu.memory_space<vmem>>
          %dma_start3A_102 = tpu.memref_squeeze %dma_start3A_101 : memref<1x128xi32, #tpu.memory_space<vmem>> -> memref<128xi32, #tpu.memory_space<vmem>>
          %dma_start3A_103 = arith.constant 0 : i32
          %dma_start3A_104 = arith.constant 0 : i32
          %dma_start3A_105 = tpu.memref_slice %arg3[%dma_start3A_103, %dma_start3A_104] : memref<10000x128xf32, #tpu.memory_space<hbm>> -> memref<10000x128xf32, #tpu.memory_space<hbm>>
          tpu.enqueue_indirect_dma source(%dma_start3A_105 : memref<10000x128xf32, #tpu.memory_space<hbm>>) target(%arg9 : memref<128x128xf32, #tpu.memory_space<vmem>>) offsets(%dma_start3A_102 : memref<128xi32, #tpu.memory_space<vmem>>) semaphore(%arg11 : memref<!tpu.dma_semaphore, #tpu.memory_space<semaphore_mem>>)
        } else {
        }
      } else {
      }
      "tpu.region"() ({
        %run_scoped3A = tpu.sem_alloc : memref<!tpu.dma_semaphore, #tpu.memory_space<semaphore_mem>>
        %dma_start3A = arith.constant 0 : i32
        %dma_start3A_89 = tpu.memref_slice %arg8[%add3A_71, %dma_start3A] : memref<40x128xi32, #tpu.memory_space<vmem>> -> memref<1x128xi32, #tpu.memory_space<vmem>>
        %dma_start3A_90 = tpu.memref_squeeze %dma_start3A_89 : memref<1x128xi32, #tpu.memory_space<vmem>> -> memref<128xi32, #tpu.memory_space<vmem>>
        %dma_start3A_91 = arith.constant 0 : i32
        %dma_start3A_92 = arith.constant 0 : i32
        %dma_start3A_93 = tpu.memref_slice %arg13[%dma_start3A_91, %dma_start3A_92] : memref<10240x128xf32, #tpu.memory_space<vmem_shared>> -> memref<10240x128xf32, #tpu.memory_space<vmem_shared>>
        tpu.enqueue_indirect_dma source(%arg10 : memref<128x128xf32, #tpu.memory_space<vmem>>) target(%dma_start3A_93 : memref<10240x128xf32, #tpu.memory_space<vmem_shared>>) offsets(%dma_start3A_90 : memref<128xi32, #tpu.memory_space<vmem>>) semaphore(%run_scoped3A : memref<!tpu.dma_semaphore, #tpu.memory_space<semaphore_mem>>) {add = true}
        %dma_wait3A = arith.constant 0 : i32
        %dma_wait3A_94 = tpu.memref_slice %arg8[%add3A_71, %dma_wait3A] : memref<40x128xi32, #tpu.memory_space<vmem>> -> memref<1x128xi32, #tpu.memory_space<vmem>>
        %dma_wait3A_95 = tpu.memref_squeeze %dma_wait3A_94 : memref<1x128xi32, #tpu.memory_space<vmem>> -> memref<128xi32, #tpu.memory_space<vmem>>
        %dma_wait3A_96 = arith.constant 0 : i32
        %dma_wait3A_97 = arith.constant 0 : i32
        %dma_wait3A_98 = tpu.memref_slice %arg13[%dma_wait3A_96, %dma_wait3A_97] : memref<10240x128xf32, #tpu.memory_space<vmem_shared>> -> memref<10240x128xf32, #tpu.memory_space<vmem_shared>>
        tpu.wait_indirect_dma semaphore(%run_scoped3A : memref<!tpu.dma_semaphore, #tpu.memory_space<semaphore_mem>>) src(%arg10 : memref<128x128xf32, #tpu.memory_space<vmem>>) dst(%dma_wait3A_98 : memref<10240x128xf32, #tpu.memory_space<vmem_shared>>)
        tpu.yield
      }) : () -> ()
    }
    %scan3A_23 = arith.constant 20 : i32
    %add3A_24 = arith.constant 16 : i32
    %add3A_25 = arith.addi %add3A_24, %arg1 : i32
    "tpu.region"() ({
      %run_scoped3A = tpu.sem_alloc : memref<!tpu.dma_semaphore, #tpu.memory_space<semaphore_mem>>
      %dma_start3A = arith.constant 0 : i32
      %dma_start3A_47 = arith.constant 0 : i32
      %dma_start3A_48 = tpu.memref_slice %arg4[%add3A_25, %dma_start3A, %dma_start3A_47] : memref<32x40x128xi32, #tpu.memory_space<hbm>> -> memref<1x40x128xi32, #tpu.memory_space<hbm>>
      %dma_start3A_49 = tpu.memref_squeeze %dma_start3A_48 : memref<1x40x128xi32, #tpu.memory_space<hbm>> -> memref<40x128xi32, #tpu.memory_space<hbm>>
      %dma_start3A_50 = arith.constant 0 : i32
      %dma_start3A_51 = arith.constant 0 : i32
      %dma_start3A_52 = tpu.memref_slice %arg4[%add3A_25, %dma_start3A_50, %dma_start3A_51] : memref<32x40x128xi32, #tpu.memory_space<hbm>> -> memref<1x40x128xi32, #tpu.memory_space<hbm>>
      %dma_start3A_53 = tpu.memref_squeeze %dma_start3A_52 : memref<1x40x128xi32, #tpu.memory_space<hbm>> -> memref<40x128xi32, #tpu.memory_space<hbm>>
      tpu.enqueue_dma source(%dma_start3A_53 : memref<40x128xi32, #tpu.memory_space<hbm>>) target(%arg7 : memref<40x128xi32, #tpu.memory_space<vmem>>) target_semaphore(%run_scoped3A : memref<!tpu.dma_semaphore, #tpu.memory_space<semaphore_mem>>)
      %dma_wait3A = arith.constant 0 : i32
      %dma_wait3A_54 = arith.constant 0 : i32
      %dma_wait3A_55 = tpu.memref_slice %arg4[%add3A_25, %dma_wait3A, %dma_wait3A_54] : memref<32x40x128xi32, #tpu.memory_space<hbm>> -> memref<1x40x128xi32, #tpu.memory_space<hbm>>
      %dma_wait3A_56 = tpu.memref_squeeze %dma_wait3A_55 : memref<1x40x128xi32, #tpu.memory_space<hbm>> -> memref<40x128xi32, #tpu.memory_space<hbm>>
      %dma_wait3A_57 = arith.constant 0 : i32
      %dma_wait3A_58 = arith.constant 0 : i32
      %dma_wait3A_59 = tpu.memref_slice %arg4[%add3A_25, %dma_wait3A_57, %dma_wait3A_58] : memref<32x40x128xi32, #tpu.memory_space<hbm>> -> memref<1x40x128xi32, #tpu.memory_space<hbm>>
      %dma_wait3A_60 = tpu.memref_squeeze %dma_wait3A_59 : memref<1x40x128xi32, #tpu.memory_space<hbm>> -> memref<40x128xi32, #tpu.memory_space<hbm>>
      tpu.wait_dma2 semaphore(%run_scoped3A : memref<!tpu.dma_semaphore, #tpu.memory_space<semaphore_mem>>) src(%dma_wait3A_60 : memref<40x128xi32, #tpu.memory_space<hbm>>) dst(%arg7 : memref<40x128xi32, #tpu.memory_space<vmem>>)
      tpu.yield
    }) : () -> ()
    "tpu.region"() ({
      %run_scoped3A = tpu.sem_alloc : memref<!tpu.dma_semaphore, #tpu.memory_space<semaphore_mem>>
      %dma_start3A = arith.constant 0 : i32
      %dma_start3A_47 = arith.constant 0 : i32
      %dma_start3A_48 = tpu.memref_slice %arg5[%add3A_25, %dma_start3A, %dma_start3A_47] : memref<32x40x128xi32, #tpu.memory_space<hbm>> -> memref<1x40x128xi32, #tpu.memory_space<hbm>>
      %dma_start3A_49 = tpu.memref_squeeze %dma_start3A_48 : memref<1x40x128xi32, #tpu.memory_space<hbm>> -> memref<40x128xi32, #tpu.memory_space<hbm>>
      %dma_start3A_50 = arith.constant 0 : i32
      %dma_start3A_51 = arith.constant 0 : i32
      %dma_start3A_52 = tpu.memref_slice %arg5[%add3A_25, %dma_start3A_50, %dma_start3A_51] : memref<32x40x128xi32, #tpu.memory_space<hbm>> -> memref<1x40x128xi32, #tpu.memory_space<hbm>>
      %dma_start3A_53 = tpu.memref_squeeze %dma_start3A_52 : memref<1x40x128xi32, #tpu.memory_space<hbm>> -> memref<40x128xi32, #tpu.memory_space<hbm>>
      tpu.enqueue_dma source(%dma_start3A_53 : memref<40x128xi32, #tpu.memory_space<hbm>>) target(%arg8 : memref<40x128xi32, #tpu.memory_space<vmem>>) target_semaphore(%run_scoped3A : memref<!tpu.dma_semaphore, #tpu.memory_space<semaphore_mem>>)
      %dma_wait3A = arith.constant 0 : i32
      %dma_wait3A_54 = arith.constant 0 : i32
      %dma_wait3A_55 = tpu.memref_slice %arg5[%add3A_25, %dma_wait3A, %dma_wait3A_54] : memref<32x40x128xi32, #tpu.memory_space<hbm>> -> memref<1x40x128xi32, #tpu.memory_space<hbm>>
      %dma_wait3A_56 = tpu.memref_squeeze %dma_wait3A_55 : memref<1x40x128xi32, #tpu.memory_space<hbm>> -> memref<40x128xi32, #tpu.memory_space<hbm>>
      %dma_wait3A_57 = arith.constant 0 : i32
      %dma_wait3A_58 = arith.constant 0 : i32
      %dma_wait3A_59 = tpu.memref_slice %arg5[%add3A_25, %dma_wait3A_57, %dma_wait3A_58] : memref<32x40x128xi32, #tpu.memory_space<hbm>> -> memref<1x40x128xi32, #tpu.memory_space<hbm>>
      %dma_wait3A_60 = tpu.memref_squeeze %dma_wait3A_59 : memref<1x40x128xi32, #tpu.memory_space<hbm>> -> memref<40x128xi32, #tpu.memory_space<hbm>>
      tpu.wait_dma2 semaphore(%run_scoped3A : memref<!tpu.dma_semaphore, #tpu.memory_space<semaphore_mem>>) src(%dma_wait3A_60 : memref<40x128xi32, #tpu.memory_space<hbm>>) dst(%arg8 : memref<40x128xi32, #tpu.memory_space<vmem>>)
      tpu.yield
    }) : () -> ()
    %eq3A_26 = arith.constant 0 : i32
    %eq3A_27 = arith.cmpi eq, %arg0, %eq3A_26 : i32
    %convert_element_type3A_28 = arith.extui %eq3A_27 : i1 to i32
    %cond3A_29 = arith.constant 0 : i32
    %cond3A_30 = arith.constant 0 : i32
    %cond3A_31 = arith.cmpi ne, %convert_element_type3A_28, %cond3A_30 : i32
    scf.if %cond3A_31 {
      %dma_start3A = arith.constant 0 : i32
      %dma_start3A_47 = tpu.memref_slice %arg7[%cond3A_29, %dma_start3A] : memref<40x128xi32, #tpu.memory_space<vmem>> -> memref<1x128xi32, #tpu.memory_space<vmem>>
      %dma_start3A_48 = tpu.memref_squeeze %dma_start3A_47 : memref<1x128xi32, #tpu.memory_space<vmem>> -> memref<128xi32, #tpu.memory_space<vmem>>
      %dma_start3A_49 = arith.constant 0 : i32
      %dma_start3A_50 = arith.constant 0 : i32
      %dma_start3A_51 = tpu.memref_slice %arg2[%dma_start3A_49, %dma_start3A_50] : memref<10000x128xf32, #tpu.memory_space<hbm>> -> memref<10000x128xf32, #tpu.memory_space<hbm>>
      tpu.enqueue_indirect_dma source(%dma_start3A_51 : memref<10000x128xf32, #tpu.memory_space<hbm>>) target(%arg9 : memref<128x128xf32, #tpu.memory_space<vmem>>) offsets(%dma_start3A_48 : memref<128xi32, #tpu.memory_space<vmem>>) semaphore(%arg11 : memref<!tpu.dma_semaphore, #tpu.memory_space<semaphore_mem>>)
    } else {
    }
    %eq3A_32 = arith.constant 1 : i32
    %eq3A_33 = arith.cmpi eq, %arg0, %eq3A_32 : i32
    %convert_element_type3A_34 = arith.extui %eq3A_33 : i1 to i32
    %cond3A_35 = arith.constant 0 : i32
    %cond3A_36 = arith.constant 0 : i32
    %cond3A_37 = arith.cmpi ne, %convert_element_type3A_34, %cond3A_36 : i32
    scf.if %cond3A_37 {
      %dma_start3A = arith.constant 0 : i32
      %dma_start3A_47 = tpu.memref_slice %arg7[%cond3A_35, %dma_start3A] : memref<40x128xi32, #tpu.memory_space<vmem>> -> memref<1x128xi32, #tpu.memory_space<vmem>>
      %dma_start3A_48 = tpu.memref_squeeze %dma_start3A_47 : memref<1x128xi32, #tpu.memory_space<vmem>> -> memref<128xi32, #tpu.memory_space<vmem>>
      %dma_start3A_49 = arith.constant 0 : i32
      %dma_start3A_50 = arith.constant 0 : i32
      %dma_start3A_51 = tpu.memref_slice %arg3[%dma_start3A_49, %dma_start3A_50] : memref<10000x128xf32, #tpu.memory_space<hbm>> -> memref<10000x128xf32, #tpu.memory_space<hbm>>
      tpu.enqueue_indirect_dma source(%dma_start3A_51 : memref<10000x128xf32, #tpu.memory_space<hbm>>) target(%arg9 : memref<128x128xf32, #tpu.memory_space<vmem>>) offsets(%dma_start3A_48 : memref<128xi32, #tpu.memory_space<vmem>>) semaphore(%arg11 : memref<!tpu.dma_semaphore, #tpu.memory_space<semaphore_mem>>)
    } else {
    }
    %scan3A_38 = arith.constant 0 : i32
    %scan3A_39 = arith.constant 20 : i32
    %scan3A_40 = arith.addi %scan3A_38, %scan3A_39 : i32
    %scan3A_41 = arith.constant 1 : i32
    scf.for %scan3A_47 = %scan3A_38 to %scan3A_40 step %scan3A_41  : i32 {
      %mul3A_48 = arith.constant 2 : i32
      %mul3A_49 = arith.muli %scan3A_47, %mul3A_48 : i32
      %add3A_50 = arith.constant 0 : i32
      %add3A_51 = arith.addi %add3A_50, %mul3A_49 : i32
      %add3A_52 = arith.constant 0 : i32
      %add3A_53 = arith.addi %add3A_51, %add3A_52 : i32
      %eq3A_54 = arith.constant 0 : i32
      %eq3A_55 = arith.cmpi eq, %arg0, %eq3A_54 : i32
      %convert_element_type3A_56 = arith.extui %eq3A_55 : i1 to i32
      %cond3A_57 = arith.constant 0 : i32
      %cond3A_58 = arith.cmpi ne, %convert_element_type3A_56, %cond3A_57 : i32
      scf.if %cond3A_58 {
        %dma_wait3A = arith.constant 0 : i32
        %dma_wait3A_89 = tpu.memref_slice %arg7[%add3A_53, %dma_wait3A] : memref<40x128xi32, #tpu.memory_space<vmem>> -> memref<1x128xi32, #tpu.memory_space<vmem>>
        %dma_wait3A_90 = tpu.memref_squeeze %dma_wait3A_89 : memref<1x128xi32, #tpu.memory_space<vmem>> -> memref<128xi32, #tpu.memory_space<vmem>>
        %dma_wait3A_91 = arith.constant 0 : i32
        %dma_wait3A_92 = arith.constant 0 : i32
        %dma_wait3A_93 = tpu.memref_slice %arg2[%dma_wait3A_91, %dma_wait3A_92] : memref<10000x128xf32, #tpu.memory_space<hbm>> -> memref<10000x128xf32, #tpu.memory_space<hbm>>
        tpu.wait_indirect_dma semaphore(%arg11 : memref<!tpu.dma_semaphore, #tpu.memory_space<semaphore_mem>>) src(%dma_wait3A_93 : memref<10000x128xf32, #tpu.memory_space<hbm>>) dst(%arg9 : memref<128x128xf32, #tpu.memory_space<vmem>>)
      } else {
      }
      %eq3A_59 = arith.constant 1 : i32
      %eq3A_60 = arith.cmpi eq, %arg0, %eq3A_59 : i32
      %convert_element_type3A_61 = arith.extui %eq3A_60 : i1 to i32
      %cond3A_62 = arith.constant 0 : i32
      %cond3A_63 = arith.cmpi ne, %convert_element_type3A_61, %cond3A_62 : i32
      scf.if %cond3A_63 {
        %dma_wait3A = arith.constant 0 : i32
        %dma_wait3A_89 = tpu.memref_slice %arg7[%add3A_53, %dma_wait3A] : memref<40x128xi32, #tpu.memory_space<vmem>> -> memref<1x128xi32, #tpu.memory_space<vmem>>
        %dma_wait3A_90 = tpu.memref_squeeze %dma_wait3A_89 : memref<1x128xi32, #tpu.memory_space<vmem>> -> memref<128xi32, #tpu.memory_space<vmem>>
        %dma_wait3A_91 = arith.constant 0 : i32
        %dma_wait3A_92 = arith.constant 0 : i32
        %dma_wait3A_93 = tpu.memref_slice %arg3[%dma_wait3A_91, %dma_wait3A_92] : memref<10000x128xf32, #tpu.memory_space<hbm>> -> memref<10000x128xf32, #tpu.memory_space<hbm>>
        tpu.wait_indirect_dma semaphore(%arg11 : memref<!tpu.dma_semaphore, #tpu.memory_space<semaphore_mem>>) src(%dma_wait3A_93 : memref<10000x128xf32, #tpu.memory_space<hbm>>) dst(%arg9 : memref<128x128xf32, #tpu.memory_space<vmem>>)
      } else {
      }
      %add3A_64 = arith.constant 1 : i32
      %add3A_65 = arith.addi %add3A_53, %add3A_64 : i32
      %lt3A = arith.constant 40 : i32
      %lt3A_66 = arith.cmpi slt, %add3A_65, %lt3A : i32
      %convert_element_type3A_67 = arith.extui %lt3A_66 : i1 to i32
      %cond3A_68 = arith.constant 0 : i32
      %cond3A_69 = arith.cmpi ne, %convert_element_type3A_67, %cond3A_68 : i32
      scf.if %cond3A_69 {
        %add3A_89 = arith.constant 1 : i32
        %add3A_90 = arith.addi %add3A_53, %add3A_89 : i32
        %eq3A_91 = arith.constant 0 : i32
        %eq3A_92 = arith.cmpi eq, %arg0, %eq3A_91 : i32
        %convert_element_type3A_93 = arith.extui %eq3A_92 : i1 to i32
        %cond3A_94 = arith.constant 0 : i32
        %cond3A_95 = arith.cmpi ne, %convert_element_type3A_93, %cond3A_94 : i32
        scf.if %cond3A_95 {
          %dma_start3A = arith.constant 0 : i32
          %dma_start3A_101 = tpu.memref_slice %arg7[%add3A_90, %dma_start3A] : memref<40x128xi32, #tpu.memory_space<vmem>> -> memref<1x128xi32, #tpu.memory_space<vmem>>
          %dma_start3A_102 = tpu.memref_squeeze %dma_start3A_101 : memref<1x128xi32, #tpu.memory_space<vmem>> -> memref<128xi32, #tpu.memory_space<vmem>>
          %dma_start3A_103 = arith.constant 0 : i32
          %dma_start3A_104 = arith.constant 0 : i32
          %dma_start3A_105 = tpu.memref_slice %arg2[%dma_start3A_103, %dma_start3A_104] : memref<10000x128xf32, #tpu.memory_space<hbm>> -> memref<10000x128xf32, #tpu.memory_space<hbm>>
          tpu.enqueue_indirect_dma source(%dma_start3A_105 : memref<10000x128xf32, #tpu.memory_space<hbm>>) target(%arg10 : memref<128x128xf32, #tpu.memory_space<vmem>>) offsets(%dma_start3A_102 : memref<128xi32, #tpu.memory_space<vmem>>) semaphore(%arg12 : memref<!tpu.dma_semaphore, #tpu.memory_space<semaphore_mem>>)
        } else {
        }
        %eq3A_96 = arith.constant 1 : i32
        %eq3A_97 = arith.cmpi eq, %arg0, %eq3A_96 : i32
        %convert_element_type3A_98 = arith.extui %eq3A_97 : i1 to i32
        %cond3A_99 = arith.constant 0 : i32
        %cond3A_100 = arith.cmpi ne, %convert_element_type3A_98, %cond3A_99 : i32
        scf.if %cond3A_100 {
          %dma_start3A = arith.constant 0 : i32
          %dma_start3A_101 = tpu.memref_slice %arg7[%add3A_90, %dma_start3A] : memref<40x128xi32, #tpu.memory_space<vmem>> -> memref<1x128xi32, #tpu.memory_space<vmem>>
          %dma_start3A_102 = tpu.memref_squeeze %dma_start3A_101 : memref<1x128xi32, #tpu.memory_space<vmem>> -> memref<128xi32, #tpu.memory_space<vmem>>
          %dma_start3A_103 = arith.constant 0 : i32
          %dma_start3A_104 = arith.constant 0 : i32
          %dma_start3A_105 = tpu.memref_slice %arg3[%dma_start3A_103, %dma_start3A_104] : memref<10000x128xf32, #tpu.memory_space<hbm>> -> memref<10000x128xf32, #tpu.memory_space<hbm>>
          tpu.enqueue_indirect_dma source(%dma_start3A_105 : memref<10000x128xf32, #tpu.memory_space<hbm>>) target(%arg10 : memref<128x128xf32, #tpu.memory_space<vmem>>) offsets(%dma_start3A_102 : memref<128xi32, #tpu.memory_space<vmem>>) semaphore(%arg12 : memref<!tpu.dma_semaphore, #tpu.memory_space<semaphore_mem>>)
        } else {
        }
      } else {
      }
      "tpu.region"() ({
        %run_scoped3A = tpu.sem_alloc : memref<!tpu.dma_semaphore, #tpu.memory_space<semaphore_mem>>
        %dma_start3A = arith.constant 0 : i32
        %dma_start3A_89 = tpu.memref_slice %arg8[%add3A_53, %dma_start3A] : memref<40x128xi32, #tpu.memory_space<vmem>> -> memref<1x128xi32, #tpu.memory_space<vmem>>
        %dma_start3A_90 = tpu.memref_squeeze %dma_start3A_89 : memref<1x128xi32, #tpu.memory_space<vmem>> -> memref<128xi32, #tpu.memory_space<vmem>>
        %dma_start3A_91 = arith.constant 0 : i32
        %dma_start3A_92 = arith.constant 0 : i32
        %dma_start3A_93 = tpu.memref_slice %arg13[%dma_start3A_91, %dma_start3A_92] : memref<10240x128xf32, #tpu.memory_space<vmem_shared>> -> memref<10240x128xf32, #tpu.memory_space<vmem_shared>>
        tpu.enqueue_indirect_dma source(%arg9 : memref<128x128xf32, #tpu.memory_space<vmem>>) target(%dma_start3A_93 : memref<10240x128xf32, #tpu.memory_space<vmem_shared>>) offsets(%dma_start3A_90 : memref<128xi32, #tpu.memory_space<vmem>>) semaphore(%run_scoped3A : memref<!tpu.dma_semaphore, #tpu.memory_space<semaphore_mem>>) {add = true}
        %dma_wait3A = arith.constant 0 : i32
        %dma_wait3A_94 = tpu.memref_slice %arg8[%add3A_53, %dma_wait3A] : memref<40x128xi32, #tpu.memory_space<vmem>> -> memref<1x128xi32, #tpu.memory_space<vmem>>
        %dma_wait3A_95 = tpu.memref_squeeze %dma_wait3A_94 : memref<1x128xi32, #tpu.memory_space<vmem>> -> memref<128xi32, #tpu.memory_space<vmem>>
        %dma_wait3A_96 = arith.constant 0 : i32
        %dma_wait3A_97 = arith.constant 0 : i32
        %dma_wait3A_98 = tpu.memref_slice %arg13[%dma_wait3A_96, %dma_wait3A_97] : memref<10240x128xf32, #tpu.memory_space<vmem_shared>> -> memref<10240x128xf32, #tpu.memory_space<vmem_shared>>
        tpu.wait_indirect_dma semaphore(%run_scoped3A : memref<!tpu.dma_semaphore, #tpu.memory_space<semaphore_mem>>) src(%arg9 : memref<128x128xf32, #tpu.memory_space<vmem>>) dst(%dma_wait3A_98 : memref<10240x128xf32, #tpu.memory_space<vmem_shared>>)
        tpu.yield
      }) : () -> ()
      %add3A_70 = arith.constant 1 : i32
      %add3A_71 = arith.addi %add3A_51, %add3A_70 : i32
      %eq3A_72 = arith.constant 0 : i32
      %eq3A_73 = arith.cmpi eq, %arg0, %eq3A_72 : i32
      %convert_element_type3A_74 = arith.extui %eq3A_73 : i1 to i32
      %cond3A_75 = arith.constant 0 : i32
      %cond3A_76 = arith.cmpi ne, %convert_element_type3A_74, %cond3A_75 : i32
      scf.if %cond3A_76 {
        %dma_wait3A = arith.constant 0 : i32
        %dma_wait3A_89 = tpu.memref_slice %arg7[%add3A_71, %dma_wait3A] : memref<40x128xi32, #tpu.memory_space<vmem>> -> memref<1x128xi32, #tpu.memory_space<vmem>>
        %dma_wait3A_90 = tpu.memref_squeeze %dma_wait3A_89 : memref<1x128xi32, #tpu.memory_space<vmem>> -> memref<128xi32, #tpu.memory_space<vmem>>
        %dma_wait3A_91 = arith.constant 0 : i32
        %dma_wait3A_92 = arith.constant 0 : i32
        %dma_wait3A_93 = tpu.memref_slice %arg2[%dma_wait3A_91, %dma_wait3A_92] : memref<10000x128xf32, #tpu.memory_space<hbm>> -> memref<10000x128xf32, #tpu.memory_space<hbm>>
        tpu.wait_indirect_dma semaphore(%arg12 : memref<!tpu.dma_semaphore, #tpu.memory_space<semaphore_mem>>) src(%dma_wait3A_93 : memref<10000x128xf32, #tpu.memory_space<hbm>>) dst(%arg10 : memref<128x128xf32, #tpu.memory_space<vmem>>)
      } else {
      }
      %eq3A_77 = arith.constant 1 : i32
      %eq3A_78 = arith.cmpi eq, %arg0, %eq3A_77 : i32
      %convert_element_type3A_79 = arith.extui %eq3A_78 : i1 to i32
      %cond3A_80 = arith.constant 0 : i32
      %cond3A_81 = arith.cmpi ne, %convert_element_type3A_79, %cond3A_80 : i32
      scf.if %cond3A_81 {
        %dma_wait3A = arith.constant 0 : i32
        %dma_wait3A_89 = tpu.memref_slice %arg7[%add3A_71, %dma_wait3A] : memref<40x128xi32, #tpu.memory_space<vmem>> -> memref<1x128xi32, #tpu.memory_space<vmem>>
        %dma_wait3A_90 = tpu.memref_squeeze %dma_wait3A_89 : memref<1x128xi32, #tpu.memory_space<vmem>> -> memref<128xi32, #tpu.memory_space<vmem>>
        %dma_wait3A_91 = arith.constant 0 : i32
        %dma_wait3A_92 = arith.constant 0 : i32
        %dma_wait3A_93 = tpu.memref_slice %arg3[%dma_wait3A_91, %dma_wait3A_92] : memref<10000x128xf32, #tpu.memory_space<hbm>> -> memref<10000x128xf32, #tpu.memory_space<hbm>>
        tpu.wait_indirect_dma semaphore(%arg12 : memref<!tpu.dma_semaphore, #tpu.memory_space<semaphore_mem>>) src(%dma_wait3A_93 : memref<10000x128xf32, #tpu.memory_space<hbm>>) dst(%arg10 : memref<128x128xf32, #tpu.memory_space<vmem>>)
      } else {
      }
      %add3A_82 = arith.constant 1 : i32
      %add3A_83 = arith.addi %add3A_71, %add3A_82 : i32
      %lt3A_84 = arith.constant 40 : i32
      %lt3A_85 = arith.cmpi slt, %add3A_83, %lt3A_84 : i32
      %convert_element_type3A_86 = arith.extui %lt3A_85 : i1 to i32
      %cond3A_87 = arith.constant 0 : i32
      %cond3A_88 = arith.cmpi ne, %convert_element_type3A_86, %cond3A_87 : i32
      scf.if %cond3A_88 {
        %add3A_89 = arith.constant 1 : i32
        %add3A_90 = arith.addi %add3A_71, %add3A_89 : i32
        %eq3A_91 = arith.constant 0 : i32
        %eq3A_92 = arith.cmpi eq, %arg0, %eq3A_91 : i32
        %convert_element_type3A_93 = arith.extui %eq3A_92 : i1 to i32
        %cond3A_94 = arith.constant 0 : i32
        %cond3A_95 = arith.cmpi ne, %convert_element_type3A_93, %cond3A_94 : i32
        scf.if %cond3A_95 {
          %dma_start3A = arith.constant 0 : i32
          %dma_start3A_101 = tpu.memref_slice %arg7[%add3A_90, %dma_start3A] : memref<40x128xi32, #tpu.memory_space<vmem>> -> memref<1x128xi32, #tpu.memory_space<vmem>>
          %dma_start3A_102 = tpu.memref_squeeze %dma_start3A_101 : memref<1x128xi32, #tpu.memory_space<vmem>> -> memref<128xi32, #tpu.memory_space<vmem>>
          %dma_start3A_103 = arith.constant 0 : i32
          %dma_start3A_104 = arith.constant 0 : i32
          %dma_start3A_105 = tpu.memref_slice %arg2[%dma_start3A_103, %dma_start3A_104] : memref<10000x128xf32, #tpu.memory_space<hbm>> -> memref<10000x128xf32, #tpu.memory_space<hbm>>
          tpu.enqueue_indirect_dma source(%dma_start3A_105 : memref<10000x128xf32, #tpu.memory_space<hbm>>) target(%arg9 : memref<128x128xf32, #tpu.memory_space<vmem>>) offsets(%dma_start3A_102 : memref<128xi32, #tpu.memory_space<vmem>>) semaphore(%arg11 : memref<!tpu.dma_semaphore, #tpu.memory_space<semaphore_mem>>)
        } else {
        }
        %eq3A_96 = arith.constant 1 : i32
        %eq3A_97 = arith.cmpi eq, %arg0, %eq3A_96 : i32
        %convert_element_type3A_98 = arith.extui %eq3A_97 : i1 to i32
        %cond3A_99 = arith.constant 0 : i32
        %cond3A_100 = arith.cmpi ne, %convert_element_type3A_98, %cond3A_99 : i32
        scf.if %cond3A_100 {
          %dma_start3A = arith.constant 0 : i32
          %dma_start3A_101 = tpu.memref_slice %arg7[%add3A_90, %dma_start3A] : memref<40x128xi32, #tpu.memory_space<vmem>> -> memref<1x128xi32, #tpu.memory_space<vmem>>
          %dma_start3A_102 = tpu.memref_squeeze %dma_start3A_101 : memref<1x128xi32, #tpu.memory_space<vmem>> -> memref<128xi32, #tpu.memory_space<vmem>>
          %dma_start3A_103 = arith.constant 0 : i32
          %dma_start3A_104 = arith.constant 0 : i32
          %dma_start3A_105 = tpu.memref_slice %arg3[%dma_start3A_103, %dma_start3A_104] : memref<10000x128xf32, #tpu.memory_space<hbm>> -> memref<10000x128xf32, #tpu.memory_space<hbm>>
          tpu.enqueue_indirect_dma source(%dma_start3A_105 : memref<10000x128xf32, #tpu.memory_space<hbm>>) target(%arg9 : memref<128x128xf32, #tpu.memory_space<vmem>>) offsets(%dma_start3A_102 : memref<128xi32, #tpu.memory_space<vmem>>) semaphore(%arg11 : memref<!tpu.dma_semaphore, #tpu.memory_space<semaphore_mem>>)
        } else {
        }
      } else {
      }
      "tpu.region"() ({
        %run_scoped3A = tpu.sem_alloc : memref<!tpu.dma_semaphore, #tpu.memory_space<semaphore_mem>>
        %dma_start3A = arith.constant 0 : i32
        %dma_start3A_89 = tpu.memref_slice %arg8[%add3A_71, %dma_start3A] : memref<40x128xi32, #tpu.memory_space<vmem>> -> memref<1x128xi32, #tpu.memory_space<vmem>>
        %dma_start3A_90 = tpu.memref_squeeze %dma_start3A_89 : memref<1x128xi32, #tpu.memory_space<vmem>> -> memref<128xi32, #tpu.memory_space<vmem>>
        %dma_start3A_91 = arith.constant 0 : i32
        %dma_start3A_92 = arith.constant 0 : i32
        %dma_start3A_93 = tpu.memref_slice %arg13[%dma_start3A_91, %dma_start3A_92] : memref<10240x128xf32, #tpu.memory_space<vmem_shared>> -> memref<10240x128xf32, #tpu.memory_space<vmem_shared>>
        tpu.enqueue_indirect_dma source(%arg10 : memref<128x128xf32, #tpu.memory_space<vmem>>) target(%dma_start3A_93 : memref<10240x128xf32, #tpu.memory_space<vmem_shared>>) offsets(%dma_start3A_90 : memref<128xi32, #tpu.memory_space<vmem>>) semaphore(%run_scoped3A : memref<!tpu.dma_semaphore, #tpu.memory_space<semaphore_mem>>) {add = true}
        %dma_wait3A = arith.constant 0 : i32
        %dma_wait3A_94 = tpu.memref_slice %arg8[%add3A_71, %dma_wait3A] : memref<40x128xi32, #tpu.memory_space<vmem>> -> memref<1x128xi32, #tpu.memory_space<vmem>>
        %dma_wait3A_95 = tpu.memref_squeeze %dma_wait3A_94 : memref<1x128xi32, #tpu.memory_space<vmem>> -> memref<128xi32, #tpu.memory_space<vmem>>
        %dma_wait3A_96 = arith.constant 0 : i32
        %dma_wait3A_97 = arith.constant 0 : i32
        %dma_wait3A_98 = tpu.memref_slice %arg13[%dma_wait3A_96, %dma_wait3A_97] : memref<10240x128xf32, #tpu.memory_space<vmem_shared>> -> memref<10240x128xf32, #tpu.memory_space<vmem_shared>>
        tpu.wait_indirect_dma semaphore(%run_scoped3A : memref<!tpu.dma_semaphore, #tpu.memory_space<semaphore_mem>>) src(%arg10 : memref<128x128xf32, #tpu.memory_space<vmem>>) dst(%dma_wait3A_98 : memref<10240x128xf32, #tpu.memory_space<vmem_shared>>)
        tpu.yield
      }) : () -> ()
    }
    %scan3A_42 = arith.constant 20 : i32
    %barrier3A_43 = arith.constant 0 : index
    tpu.barrier barrier_id(%barrier3A_43)
    %mul3A = arith.constant 640 : i32
    %mul3A_44 = arith.muli %arg1, %mul3A : i32
    %mul3A_45 = arith.constant 640 : i32
    %mul3A_46 = arith.muli %arg1, %mul3A_45 : i32
    "tpu.region"() ({
      %run_scoped3A = tpu.sem_alloc : memref<!tpu.dma_semaphore, #tpu.memory_space<semaphore_mem>>
      %dma_start3A = arith.constant 0 : i32
      %dma_start3A_47 = tpu.memref_slice %arg6[%arg0, %mul3A_46, %dma_start3A] : memref<2x10240x128xf32, #tpu.memory_space<hbm>> -> memref<1x640x128xf32, #tpu.memory_space<hbm>>
      %dma_start3A_48 = tpu.memref_squeeze %dma_start3A_47 : memref<1x640x128xf32, #tpu.memory_space<hbm>> -> memref<640x128xf32, #tpu.memory_space<hbm>>
      %dma_start3A_49 = arith.constant 0 : i32
      %dma_start3A_50 = tpu.memref_slice %arg13[%mul3A_44, %dma_start3A_49] : memref<10240x128xf32, #tpu.memory_space<vmem_shared>> -> memref<640x128xf32, #tpu.memory_space<vmem_shared>>
      tpu.enqueue_dma source(%dma_start3A_50 : memref<640x128xf32, #tpu.memory_space<vmem_shared>>) target(%dma_start3A_48 : memref<640x128xf32, #tpu.memory_space<hbm>>) target_semaphore(%run_scoped3A : memref<!tpu.dma_semaphore, #tpu.memory_space<semaphore_mem>>)
      %dma_wait3A = arith.constant 0 : i32
      %dma_wait3A_51 = tpu.memref_slice %arg6[%arg0, %mul3A_46, %dma_wait3A] : memref<2x10240x128xf32, #tpu.memory_space<hbm>> -> memref<1x640x128xf32, #tpu.memory_space<hbm>>
      %dma_wait3A_52 = tpu.memref_squeeze %dma_wait3A_51 : memref<1x640x128xf32, #tpu.memory_space<hbm>> -> memref<640x128xf32, #tpu.memory_space<hbm>>
      %dma_wait3A_53 = arith.constant 0 : i32
      %dma_wait3A_54 = tpu.memref_slice %arg13[%mul3A_44, %dma_wait3A_53] : memref<10240x128xf32, #tpu.memory_space<vmem_shared>> -> memref<640x128xf32, #tpu.memory_space<vmem_shared>>
      tpu.wait_dma2 semaphore(%run_scoped3A : memref<!tpu.dma_semaphore, #tpu.memory_space<semaphore_mem>>) src(%dma_wait3A_54 : memref<640x128xf32, #tpu.memory_space<vmem_shared>>) dst(%dma_wait3A_52 : memref<640x128xf32, #tpu.memory_space<hbm>>)
      tpu.yield
    }) : () -> ()
    return
  }
}

module attributes {stable_mosaic.version = 14 : i64} {
  func.func @_mm_body(%arg0: i32, %arg1: memref<1000x256xf32, #tpu.memory_space<vmem>>, %arg2: memref<256x256xf32, #tpu.memory_space<vmem>>, %arg3: memref<1000x256xf32, #tpu.memory_space<vmem>>) attributes {dimension_semantics = [#tpu.dimension_semantics<arbitrary>], iteration_bounds = array<i64: 10>, scalar_prefetch = 0 : i64, scratch_operands = 0 : i64, tpu.core_type = #tpu.core_type<tc>, window_params = [{transform_indices = @transform_0, window_bounds = array<i64: 1000, 256>}, {pipeline_mode = #tpu.pipeline_mode<synchronous>, transform_indices = @transform_1, window_bounds = array<i64: 256, 256>}, {transform_indices = @transform_2, window_bounds = array<i64: 1000, 256>}]} {
    %get3A = arith.constant 0 : index
    %get3A_0 = arith.constant 0 : index
    %get3A_1 = vector.load %arg1[%get3A, %get3A_0] : memref<1000x256xf32, #tpu.memory_space<vmem>>, vector<1000x256xf32>
    %get3A_2 = arith.constant 0 : index
    %get3A_3 = arith.constant 0 : index
    %get3A_4 = vector.load %arg2[%get3A_2, %get3A_3] : memref<256x256xf32, #tpu.memory_space<vmem>>, vector<256x256xf32>
    %dot_general3A = arith.constant dense<0.000000e+00> : vector<1000x256xf32>
    %dot_general3A_5 = tpu.matmul %get3A_1, %get3A_4, %dot_general3A {dimension_numbers = #tpu.dot_dimension_numbers<[1], [0], [0], [1], [0, 0, 1, 1], [], []>, transpose_lhs_hint = false} : vector<1000x256xf32>, vector<256x256xf32>, vector<1000x256xf32> -> vector<1000x256xf32>
    %swap3A = arith.constant 0 : index
    %swap3A_6 = arith.constant 0 : index
    %swap3A_7 = vector.load %arg3[%swap3A, %swap3A_6] : memref<1000x256xf32, #tpu.memory_space<vmem>>, vector<1000x256xf32>
    tpu.vector_store %arg3[%swap3A, %swap3A_6], %dot_general3A_5 {strides = array<i32>} : memref<1000x256xf32, #tpu.memory_space<vmem>>, vector<1000x256xf32>,
    return
  }
  func.func @transform_0(%arg0: i32) -> (i32, i32) {
    %c0_i32 = arith.constant 0 : i32
    %c0_i32_0 = arith.constant 0 : i32
    return %arg0, %c0_i32 : i32, i32
  }
  func.func @transform_1(%arg0: i32) -> (i32, i32) {
    %c0_i32 = arith.constant 0 : i32
    %c0_i32_0 = arith.constant 0 : i32
    %c0_i32_1 = arith.constant 0 : i32
    return %c0_i32, %c0_i32_0 : i32, i32
  }
  func.func @transform_2(%arg0: i32) -> (i32, i32) {
    %c0_i32 = arith.constant 0 : i32
    %c0_i32_0 = arith.constant 0 : i32
    return %arg0, %c0_i32 : i32, i32
  }
}

module attributes {stable_mosaic.version = 14 : i64} {
  func.func @_scale_body(%arg0: i32, %arg1: memref<1000x256xf32, #tpu.memory_space<vmem>>, %arg2: memref<2x1000x16xf32, #tpu.memory_space<vmem>>, %arg3: memref<1000x128xf32, #tpu.memory_space<vmem>>, %arg4: memref<1000x128xf32, #tpu.memory_space<vmem>>) attributes {dimension_semantics = [#tpu.dimension_semantics<arbitrary>], iteration_bounds = array<i64: 10>, scalar_prefetch = 0 : i64, scratch_operands = 0 : i64, tpu.core_type = #tpu.core_type<tc>, window_params = [{transform_indices = @transform_0, window_bounds = array<i64: 1000, 256>}, {transform_indices = @transform_1, window_bounds = array<i64: 2, 1000, 16>}, {transform_indices = @transform_2, window_bounds = array<i64: 1000, 128>}, {transform_indices = @transform_3, window_bounds = array<i64: 1000, 128>}]} {
    %get3A = arith.constant 0 : index
    %get3A_0 = arith.constant 0 : index
    %get3A_1 = arith.constant 0 : index
    %get3A_2 = vector.load %arg2[%get3A, %get3A_0, %get3A_1] : memref<2x1000x16xf32, #tpu.memory_space<vmem>>, vector<1x1000x1xf32>
    %get3A_3 = vector.shape_cast %get3A_2 : vector<1x1000x1xf32> to vector<1000xf32>
    %get3A_4 = arith.constant 1 : index
    %get3A_5 = arith.constant 0 : index
    %get3A_6 = arith.constant 0 : index
    %get3A_7 = vector.load %arg2[%get3A_4, %get3A_5, %get3A_6] : memref<2x1000x16xf32, #tpu.memory_space<vmem>>, vector<1x1000x1xf32>
    %get3A_8 = vector.shape_cast %get3A_7 : vector<1x1000x1xf32> to vector<1000xf32>
    %add3A = arith.addf %get3A_3, %get3A_8 : vector<1000xf32>
    %add3A_9 = arith.constant 1.000000e+00 : f32
    %add3A_10 = vector.broadcast %add3A_9 : f32 to vector<1000xf32>
    %add3A_11 = arith.addf %add3A, %add3A_10 : vector<1000xf32>
    %rsqrt3A = math.rsqrt %add3A_11 : vector<1000xf32>
    %broadcast_in_dim3A = vector.shape_cast %rsqrt3A : vector<1000xf32> to vector<1000x1xf32>
    %get3A_12 = arith.constant 0 : index
    %get3A_13 = arith.constant 0 : index
    %get3A_14 = vector.load %arg1[%get3A_12, %get3A_13] : memref<1000x256xf32, #tpu.memory_space<vmem>>, vector<1000x256xf32>
    %slice3A = vector.extract_strided_slice %get3A_14 {offsets = [0, 0], sizes = [1000, 128], strides = [1, 1]} : vector<1000x256xf32> to vector<1000x128xf32>
    %mul3A = vector.broadcast %broadcast_in_dim3A : vector<1000x1xf32> to vector<1000x128xf32>
    %mul3A_15 = arith.mulf %slice3A, %mul3A : vector<1000x128xf32>
    %swap3A = arith.constant 0 : index
    %swap3A_16 = arith.constant 0 : index
    %swap3A_17 = vector.load %arg3[%swap3A, %swap3A_16] : memref<1000x128xf32, #tpu.memory_space<vmem>>, vector<1000x128xf32>
    tpu.vector_store %arg3[%swap3A, %swap3A_16], %mul3A_15 {strides = array<i32>} : memref<1000x128xf32, #tpu.memory_space<vmem>>, vector<1000x128xf32>,
    %slice3A_18 = vector.extract_strided_slice %get3A_14 {offsets = [0, 128], sizes = [1000, 128], strides = [1, 1]} : vector<1000x256xf32> to vector<1000x128xf32>
    %mul3A_19 = vector.broadcast %broadcast_in_dim3A : vector<1000x1xf32> to vector<1000x128xf32>
    %mul3A_20 = arith.mulf %slice3A_18, %mul3A_19 : vector<1000x128xf32>
    %swap3A_21 = arith.constant 0 : index
    %swap3A_22 = arith.constant 0 : index
    %swap3A_23 = vector.load %arg4[%swap3A_21, %swap3A_22] : memref<1000x128xf32, #tpu.memory_space<vmem>>, vector<1000x128xf32>
    tpu.vector_store %arg4[%swap3A_21, %swap3A_22], %mul3A_20 {strides = array<i32>} : memref<1000x128xf32, #tpu.memory_space<vmem>>, vector<1000x128xf32>,
    return
  }
  func.func @transform_0(%arg0: i32) -> (i32, i32) {
    %c0_i32 = arith.constant 0 : i32
    %c0_i32_0 = arith.constant 0 : i32
    return %arg0, %c0_i32 : i32, i32
  }
  func.func @transform_1(%arg0: i32) -> (i32, i32, i32) {
    %c0_i32 = arith.constant 0 : i32
    %c0_i32_0 = arith.constant 0 : i32
    %c0_i32_1 = arith.constant 0 : i32
    return %c0_i32, %arg0, %c0_i32_0 : i32, i32, i32
  }
  func.func @transform_2(%arg0: i32) -> (i32, i32) {
    %c0_i32 = arith.constant 0 : i32
    %c0_i32_0 = arith.constant 0 : i32
    return %arg0, %c0_i32 : i32, i32
  }
  func.func @transform_3(%arg0: i32) -> (i32, i32) {
    %c0_i32 = arith.constant 0 : i32
    %c0_i32_0 = arith.constant 0 : i32
    return %arg0, %c0_i32 : i32, i32
  }
}

module attributes {stable_mosaic.version = 14 : i64} {
  func.func @_fuse_body(%arg0: i32, %arg1: memref<2x1000x128xf32, #tpu.memory_space<vmem>>, %arg2: memref<1000x128xf32, #tpu.memory_space<vmem>>, %arg3: memref<1000x128xf32, #tpu.memory_space<vmem>>, %arg4: memref<2x1000x16xf32, #tpu.memory_space<vmem>>, %arg5: memref<1x256xf32, #tpu.memory_space<vmem>>, %arg6: memref<1x256xf32, #tpu.memory_space<vmem>>, %arg7: memref<256x256xf32, #tpu.memory_space<vmem>>, %arg8: memref<1x256xf32, #tpu.memory_space<vmem>>, %arg9: memref<1000x256xf32, #tpu.memory_space<vmem>>, %arg10: memref<8x256xf32, #tpu.memory_space<vmem>>, %arg11: memref<1x256xf32, #tpu.memory_space<vmem>>, %arg12: memref<8x256xf32, #tpu.memory_space<vmem>>) attributes {dimension_semantics = [#tpu.dimension_semantics<arbitrary>], iteration_bounds = array<i64: 10>, scalar_prefetch = 0 : i64, scratch_operands = 2 : i64, tpu.core_type = #tpu.core_type<tc>, window_params = [{transform_indices = @transform_0, window_bounds = array<i64: 2, 1000, 128>}, {transform_indices = @transform_1, window_bounds = array<i64: 1000, 128>}, {transform_indices = @transform_2, window_bounds = array<i64: 1000, 128>}, {transform_indices = @transform_3, window_bounds = array<i64: 2, 1000, 16>}, {pipeline_mode = #tpu.pipeline_mode<synchronous>, transform_indices = @transform_4, window_bounds = array<i64: 1, 256>}, {pipeline_mode = #tpu.pipeline_mode<synchronous>, transform_indices = @transform_5, window_bounds = array<i64: 1, 256>}, {pipeline_mode = #tpu.pipeline_mode<synchronous>, transform_indices = @transform_6, window_bounds = array<i64: 256, 256>}, {pipeline_mode = #tpu.pipeline_mode<synchronous>, transform_indices = @transform_7, window_bounds = array<i64: 1, 256>}, {transform_indices = @transform_8, window_bounds = array<i64: 1000, 256>}, {pipeline_mode = #tpu.pipeline_mode<synchronous>, transform_indices = @transform_9, window_bounds = array<i64: 8, 256>}]} {
    %eq3A = arith.constant 0 : i32
    %eq3A_0 = arith.cmpi eq, %arg0, %eq3A : i32
    %convert_element_type3A = arith.extui %eq3A_0 : i1 to i32
    %cond3A = arith.constant 0 : i32
    %cond3A_1 = arith.cmpi ne, %convert_element_type3A, %cond3A : i32
    scf.if %cond3A_1 {
      %get3A_86 = arith.constant 0 : index
      %get3A_87 = arith.constant 0 : index
      %get3A_88 = vector.load %arg6[%get3A_86, %get3A_87] : memref<1x256xf32, #tpu.memory_space<vmem>>, vector<1x256xf32>
      %get3A_89 = arith.constant 0 : index
      %get3A_90 = arith.constant 0 : index
      %get3A_91 = vector.load %arg7[%get3A_89, %get3A_90] : memref<256x256xf32, #tpu.memory_space<vmem>>, vector<256x256xf32>
      %dot_general3A = arith.constant dense<0.000000e+00> : vector<1x256xf32>
      %dot_general3A_92 = tpu.matmul %get3A_88, %get3A_91, %dot_general3A {dimension_numbers = #tpu.dot_dimension_numbers<[1], [0], [0], [1], [0, 0, 1, 1], [], []>, transpose_lhs_hint = false} : vector<1x256xf32>, vector<256x256xf32>, vector<1x256xf32> -> vector<1x256xf32>
      %get3A_93 = arith.constant 0 : index
      %get3A_94 = arith.constant 0 : index
      %get3A_95 = vector.load %arg8[%get3A_93, %get3A_94] : memref<1x256xf32, #tpu.memory_space<vmem>>, vector<1x256xf32>
      %add3A_96 = arith.addf %dot_general3A_92, %get3A_95 : vector<1x256xf32>
      %max3A_97 = arith.constant 0.000000e+00 : f32
      %max3A_98 = vector.broadcast %max3A_97 : f32 to vector<1x256xf32>
      %max3A_99 = arith.maximumf %add3A_96, %max3A_98 : vector<1x256xf32>
      %swap3A_100 = arith.constant 0 : index
      %swap3A_101 = arith.constant 0 : index
      %swap3A_102 = vector.load %arg11[%swap3A_100, %swap3A_101] : memref<1x256xf32, #tpu.memory_space<vmem>>, vector<1x256xf32>
      tpu.vector_store %arg11[%swap3A_100, %swap3A_101], %max3A_99 {strides = array<i32>} : memref<1x256xf32, #tpu.memory_space<vmem>>, vector<1x256xf32>,
      %broadcast_in_dim3A_103 = arith.constant 0.000000e+00 : f32
      %broadcast_in_dim3A_104 = vector.broadcast %broadcast_in_dim3A_103 : f32 to vector<8x256xf32>
      %swap3A_105 = arith.constant 0 : index
      %swap3A_106 = arith.constant 0 : index
      %swap3A_107 = vector.load %arg12[%swap3A_105, %swap3A_106] : memref<8x256xf32, #tpu.memory_space<vmem>>, vector<8x256xf32>
      tpu.vector_store %arg12[%swap3A_105, %swap3A_106], %broadcast_in_dim3A_104 {strides = array<i32>} : memref<8x256xf32, #tpu.memory_space<vmem>>, vector<8x256xf32>,
    } else {
    }
    %get3A = arith.constant 0 : index
    %get3A_2 = arith.constant 0 : index
    %get3A_3 = vector.load %arg11[%get3A, %get3A_2] : memref<1x256xf32, #tpu.memory_space<vmem>>, vector<1x256xf32>
    %get3A_4 = arith.constant 0 : index
    %get3A_5 = arith.constant 0 : index
    %get3A_6 = arith.constant 0 : index
    %get3A_7 = vector.load %arg4[%get3A_4, %get3A_5, %get3A_6] : memref<2x1000x16xf32, #tpu.memory_space<vmem>>, vector<1x1000x1xf32>
    %get3A_8 = vector.shape_cast %get3A_7 : vector<1x1000x1xf32> to vector<1000xf32>
    %get3A_9 = arith.constant 1 : index
    %get3A_10 = arith.constant 0 : index
    %get3A_11 = arith.constant 0 : index
    %get3A_12 = vector.load %arg4[%get3A_9, %get3A_10, %get3A_11] : memref<2x1000x16xf32, #tpu.memory_space<vmem>>, vector<1x1000x1xf32>
    %get3A_13 = vector.shape_cast %get3A_12 : vector<1x1000x1xf32> to vector<1000xf32>
    %add3A = arith.addf %get3A_8, %get3A_13 : vector<1000xf32>
    %add3A_14 = arith.constant 1.000000e+00 : f32
    %add3A_15 = vector.broadcast %add3A_14 : f32 to vector<1000xf32>
    %add3A_16 = arith.addf %add3A, %add3A_15 : vector<1000xf32>
    %rsqrt3A = math.rsqrt %add3A_16 : vector<1000xf32>
    %broadcast_in_dim3A = vector.shape_cast %rsqrt3A : vector<1000xf32> to vector<1000x1xf32>
    %get3A_17 = arith.constant 0 : index
    %get3A_18 = arith.constant 0 : index
    %get3A_19 = arith.constant 0 : index
    %get3A_20 = vector.load %arg1[%get3A_17, %get3A_18, %get3A_19] : memref<2x1000x128xf32, #tpu.memory_space<vmem>>, vector<1x1000x128xf32>
    %get3A_21 = vector.shape_cast %get3A_20 : vector<1x1000x128xf32> to vector<1000x128xf32>
    %get3A_22 = arith.constant 0 : index
    %get3A_23 = arith.constant 0 : index
    %get3A_24 = vector.load %arg2[%get3A_22, %get3A_23] : memref<1000x128xf32, #tpu.memory_space<vmem>>, vector<1000x128xf32>
    %add3A_25 = arith.addf %get3A_21, %get3A_24 : vector<1000x128xf32>
    %mul3A = vector.broadcast %broadcast_in_dim3A : vector<1000x1xf32> to vector<1000x128xf32>
    %mul3A_26 = arith.mulf %mul3A, %add3A_25 : vector<1000x128xf32>
    %get3A_27 = arith.constant 0 : index
    %get3A_28 = arith.constant 0 : index
    %get3A_29 = vector.load %arg5[%get3A_27, %get3A_28] : memref<1x256xf32, #tpu.memory_space<vmem>>, vector<1x128xf32>
    %add3A_30 = vector.broadcast %get3A_29 : vector<1x128xf32> to vector<1000x128xf32>
    %add3A_31 = arith.addf %mul3A_26, %add3A_30 : vector<1000x128xf32>
    %slice3A = vector.extract_strided_slice %get3A_3 {offsets = [0, 0], sizes = [1, 128], strides = [1, 1]} : vector<1x256xf32> to vector<1x128xf32>
    %add3A_32 = vector.broadcast %slice3A : vector<1x128xf32> to vector<1000x128xf32>
    %add3A_33 = arith.addf %add3A_31, %add3A_32 : vector<1000x128xf32>
    %max3A = arith.constant 0.000000e+00 : f32
    %max3A_34 = vector.broadcast %max3A : f32 to vector<1000x128xf32>
    %max3A_35 = arith.maximumf %add3A_33, %max3A_34 : vector<1000x128xf32>
    %get3A_36 = arith.constant 1 : index
    %get3A_37 = arith.constant 0 : index
    %get3A_38 = arith.constant 0 : index
    %get3A_39 = vector.load %arg1[%get3A_36, %get3A_37, %get3A_38] : memref<2x1000x128xf32, #tpu.memory_space<vmem>>, vector<1x1000x128xf32>
    %get3A_40 = vector.shape_cast %get3A_39 : vector<1x1000x128xf32> to vector<1000x128xf32>
    %get3A_41 = arith.constant 0 : index
    %get3A_42 = arith.constant 0 : index
    %get3A_43 = vector.load %arg3[%get3A_41, %get3A_42] : memref<1000x128xf32, #tpu.memory_space<vmem>>, vector<1000x128xf32>
    %add3A_44 = arith.addf %get3A_40, %get3A_43 : vector<1000x128xf32>
    %mul3A_45 = vector.broadcast %broadcast_in_dim3A : vector<1000x1xf32> to vector<1000x128xf32>
    %mul3A_46 = arith.mulf %mul3A_45, %add3A_44 : vector<1000x128xf32>
    %get3A_47 = arith.constant 0 : index
    %get3A_48 = arith.constant 128 : index
    %get3A_49 = vector.load %arg5[%get3A_47, %get3A_48] : memref<1x256xf32, #tpu.memory_space<vmem>>, vector<1x128xf32>
    %add3A_50 = vector.broadcast %get3A_49 : vector<1x128xf32> to vector<1000x128xf32>
    %add3A_51 = arith.addf %mul3A_46, %add3A_50 : vector<1000x128xf32>
    %slice3A_52 = vector.extract_strided_slice %get3A_3 {offsets = [0, 128], sizes = [1, 128], strides = [1, 1]} : vector<1x256xf32> to vector<1x128xf32>
    %add3A_53 = vector.broadcast %slice3A_52 : vector<1x128xf32> to vector<1000x128xf32>
    %add3A_54 = arith.addf %add3A_51, %add3A_53 : vector<1000x128xf32>
    %max3A_55 = arith.constant 0.000000e+00 : f32
    %max3A_56 = vector.broadcast %max3A_55 : f32 to vector<1000x128xf32>
    %max3A_57 = arith.maximumf %add3A_54, %max3A_56 : vector<1000x128xf32>
    %concatenate3A = tpu.concatenate %max3A_35, %max3A_57 in 1 : vector<1000x128xf32>, vector<1000x128xf32> -> vector<1000x256xf32>
    %swap3A = arith.constant 0 : index
    %swap3A_58 = arith.constant 0 : index
    %swap3A_59 = vector.load %arg9[%swap3A, %swap3A_58] : memref<1000x256xf32, #tpu.memory_space<vmem>>, vector<1000x256xf32>
    tpu.vector_store %arg9[%swap3A, %swap3A_58], %concatenate3A {strides = array<i32>} : memref<1000x256xf32, #tpu.memory_space<vmem>>, vector<1000x256xf32>,
    %get3A_60 = arith.constant 0 : index
    %get3A_61 = arith.constant 0 : index
    %get3A_62 = vector.load %arg12[%get3A_60, %get3A_61] : memref<8x256xf32, #tpu.memory_space<vmem>>, vector<1x256xf32>
    %reduce_sum3A = arith.constant dense<0.000000e+00> : vector<256xf32>
    %reduce_sum3A_63 = vector.multi_reduction <add>, %concatenate3A, %reduce_sum3A [0] : vector<1000x256xf32> to vector<256xf32>
    %broadcast_in_dim3A_64 = vector.shape_cast %reduce_sum3A_63 : vector<256xf32> to vector<1x256xf32>
    %add3A_65 = arith.addf %get3A_62, %broadcast_in_dim3A_64 : vector<1x256xf32>
    %swap3A_66 = arith.constant 0 : index
    %swap3A_67 = arith.constant 0 : index
    %swap3A_68 = vector.load %arg12[%swap3A_66, %swap3A_67] : memref<8x256xf32, #tpu.memory_space<vmem>>, vector<1x256xf32>
    tpu.vector_store %arg12[%swap3A_66, %swap3A_67], %add3A_65 {strides = array<i32>} : memref<8x256xf32, #tpu.memory_space<vmem>>, vector<1x256xf32>,
    %get3A_69 = arith.constant 1 : index
    %get3A_70 = arith.constant 0 : index
    %get3A_71 = vector.load %arg12[%get3A_69, %get3A_70] : memref<8x256xf32, #tpu.memory_space<vmem>>, vector<1x256xf32>
    %mul3A_72 = arith.mulf %concatenate3A, %concatenate3A : vector<1000x256xf32>
    %reduce_sum3A_73 = arith.constant dense<0.000000e+00> : vector<256xf32>
    %reduce_sum3A_74 = vector.multi_reduction <add>, %mul3A_72, %reduce_sum3A_73 [0] : vector<1000x256xf32> to vector<256xf32>
    %broadcast_in_dim3A_75 = vector.shape_cast %reduce_sum3A_74 : vector<256xf32> to vector<1x256xf32>
    %add3A_76 = arith.addf %get3A_71, %broadcast_in_dim3A_75 : vector<1x256xf32>
    %swap3A_77 = arith.constant 1 : index
    %swap3A_78 = arith.constant 0 : index
    %swap3A_79 = vector.load %arg12[%swap3A_77, %swap3A_78] : memref<8x256xf32, #tpu.memory_space<vmem>>, vector<1x256xf32>
    tpu.vector_store %arg12[%swap3A_77, %swap3A_78], %add3A_76 {strides = array<i32>} : memref<8x256xf32, #tpu.memory_space<vmem>>, vector<1x256xf32>,
    %get3A_80 = arith.constant 0 : index
    %get3A_81 = arith.constant 0 : index
    %get3A_82 = vector.load %arg12[%get3A_80, %get3A_81] : memref<8x256xf32, #tpu.memory_space<vmem>>, vector<8x256xf32>
    %swap3A_83 = arith.constant 0 : index
    %swap3A_84 = arith.constant 0 : index
    %swap3A_85 = vector.load %arg10[%swap3A_83, %swap3A_84] : memref<8x256xf32, #tpu.memory_space<vmem>>, vector<8x256xf32>
    tpu.vector_store %arg10[%swap3A_83, %swap3A_84], %get3A_82 {strides = array<i32>} : memref<8x256xf32, #tpu.memory_space<vmem>>, vector<8x256xf32>,
    return
  }
  func.func @transform_0(%arg0: i32) -> (i32, i32, i32) {
    %c0_i32 = arith.constant 0 : i32
    %c0_i32_0 = arith.constant 0 : i32
    %c0_i32_1 = arith.constant 0 : i32
    return %c0_i32, %arg0, %c0_i32_0 : i32, i32, i32
  }
  func.func @transform_1(%arg0: i32) -> (i32, i32) {
    %c0_i32 = arith.constant 0 : i32
    %c0_i32_0 = arith.constant 0 : i32
    return %arg0, %c0_i32 : i32, i32
  }
  func.func @transform_2(%arg0: i32) -> (i32, i32) {
    %c0_i32 = arith.constant 0 : i32
    %c0_i32_0 = arith.constant 0 : i32
    return %arg0, %c0_i32 : i32, i32
  }
  func.func @transform_3(%arg0: i32) -> (i32, i32, i32) {
    %c0_i32 = arith.constant 0 : i32
    %c0_i32_0 = arith.constant 0 : i32
    %c0_i32_1 = arith.constant 0 : i32
    return %c0_i32, %arg0, %c0_i32_0 : i32, i32, i32
  }
  func.func @transform_4(%arg0: i32) -> (i32, i32) {
    %c0_i32 = arith.constant 0 : i32
    %c0_i32_0 = arith.constant 0 : i32
    %c0_i32_1 = arith.constant 0 : i32
    return %c0_i32, %c0_i32_0 : i32, i32
  }
  func.func @transform_5(%arg0: i32) -> (i32, i32) {
    %c0_i32 = arith.constant 0 : i32
    %c0_i32_0 = arith.constant 0 : i32
    %c0_i32_1 = arith.constant 0 : i32
    return %c0_i32, %c0_i32_0 : i32, i32
  }
  func.func @transform_6(%arg0: i32) -> (i32, i32) {
    %c0_i32 = arith.constant 0 : i32
    %c0_i32_0 = arith.constant 0 : i32
    %c0_i32_1 = arith.constant 0 : i32
    return %c0_i32, %c0_i32_0 : i32, i32
  }
  func.func @transform_7(%arg0: i32) -> (i32, i32) {
    %c0_i32 = arith.constant 0 : i32
    %c0_i32_0 = arith.constant 0 : i32
    %c0_i32_1 = arith.constant 0 : i32
    return %c0_i32, %c0_i32_0 : i32, i32
  }
  func.func @transform_8(%arg0: i32) -> (i32, i32) {
    %c0_i32 = arith.constant 0 : i32
    %c0_i32_0 = arith.constant 0 : i32
    return %arg0, %c0_i32 : i32, i32
  }
  func.func @transform_9(%arg0: i32) -> (i32, i32) {
    %c0_i32 = arith.constant 0 : i32
    %c0_i32_0 = arith.constant 0 : i32
    %c0_i32_1 = arith.constant 0 : i32
    return %c0_i32, %c0_i32_0 : i32, i32
  }
}

module attributes {stable_mosaic.version = 14 : i64} {
  func.func @_bn_body(%arg0: i32, %arg1: memref<1000x256xf32, #tpu.memory_space<vmem>>, %arg2: memref<8x256xf32, #tpu.memory_space<vmem>>, %arg3: memref<1x256xf32, #tpu.memory_space<vmem>>, %arg4: memref<1x256xf32, #tpu.memory_space<vmem>>, %arg5: memref<1000x256xf32, #tpu.memory_space<vmem>>) attributes {dimension_semantics = [#tpu.dimension_semantics<arbitrary>], iteration_bounds = array<i64: 10>, scalar_prefetch = 0 : i64, scratch_operands = 0 : i64, tpu.core_type = #tpu.core_type<tc>, window_params = [{transform_indices = @transform_0, window_bounds = array<i64: 1000, 256>}, {pipeline_mode = #tpu.pipeline_mode<synchronous>, transform_indices = @transform_1, window_bounds = array<i64: 8, 256>}, {pipeline_mode = #tpu.pipeline_mode<synchronous>, transform_indices = @transform_2, window_bounds = array<i64: 1, 256>}, {pipeline_mode = #tpu.pipeline_mode<synchronous>, transform_indices = @transform_3, window_bounds = array<i64: 1, 256>}, {transform_indices = @transform_4, window_bounds = array<i64: 1000, 256>}]} {
    %get3A = arith.constant 0 : index
    %get3A_0 = arith.constant 0 : index
    %get3A_1 = vector.load %arg2[%get3A, %get3A_0] : memref<8x256xf32, #tpu.memory_space<vmem>>, vector<1x256xf32>
    %mul3A = arith.constant 9.99999974E-5 : f32
    %mul3A_2 = vector.broadcast %mul3A : f32 to vector<1x256xf32>
    %mul3A_3 = arith.mulf %get3A_1, %mul3A_2 : vector<1x256xf32>
    %get3A_4 = arith.constant 1 : index
    %get3A_5 = arith.constant 0 : index
    %get3A_6 = vector.load %arg2[%get3A_4, %get3A_5] : memref<8x256xf32, #tpu.memory_space<vmem>>, vector<1x256xf32>
    %mul3A_7 = arith.constant 9.99999974E-5 : f32
    %mul3A_8 = vector.broadcast %mul3A_7 : f32 to vector<1x256xf32>
    %mul3A_9 = arith.mulf %get3A_6, %mul3A_8 : vector<1x256xf32>
    %mul3A_10 = arith.mulf %mul3A_3, %mul3A_3 : vector<1x256xf32>
    %sub3A = arith.subf %mul3A_9, %mul3A_10 : vector<1x256xf32>
    %add3A = arith.constant 9.99999974E-6 : f32
    %add3A_11 = vector.broadcast %add3A : f32 to vector<1x256xf32>
    %add3A_12 = arith.addf %sub3A, %add3A_11 : vector<1x256xf32>
    %rsqrt3A = math.rsqrt %add3A_12 : vector<1x256xf32>
    %get3A_13 = arith.constant 0 : index
    %get3A_14 = arith.constant 0 : index
    %get3A_15 = vector.load %arg3[%get3A_13, %get3A_14] : memref<1x256xf32, #tpu.memory_space<vmem>>, vector<1x256xf32>
    %mul3A_16 = arith.mulf %rsqrt3A, %get3A_15 : vector<1x256xf32>
    %get3A_17 = arith.constant 0 : index
    %get3A_18 = arith.constant 0 : index
    %get3A_19 = vector.load %arg1[%get3A_17, %get3A_18] : memref<1000x256xf32, #tpu.memory_space<vmem>>, vector<1000x256xf32>
    %sub3A_20 = vector.broadcast %mul3A_3 : vector<1x256xf32> to vector<1000x256xf32>
    %sub3A_21 = arith.subf %get3A_19, %sub3A_20 : vector<1000x256xf32>
    %mul3A_22 = vector.broadcast %mul3A_16 : vector<1x256xf32> to vector<1000x256xf32>
    %mul3A_23 = arith.mulf %sub3A_21, %mul3A_22 : vector<1000x256xf32>
    %get3A_24 = arith.constant 0 : index
    %get3A_25 = arith.constant 0 : index
    %get3A_26 = vector.load %arg4[%get3A_24, %get3A_25] : memref<1x256xf32, #tpu.memory_space<vmem>>, vector<1x256xf32>
    %add3A_27 = vector.broadcast %get3A_26 : vector<1x256xf32> to vector<1000x256xf32>
    %add3A_28 = arith.addf %mul3A_23, %add3A_27 : vector<1000x256xf32>
    %swap3A = arith.constant 0 : index
    %swap3A_29 = arith.constant 0 : index
    %swap3A_30 = vector.load %arg5[%swap3A, %swap3A_29] : memref<1000x256xf32, #tpu.memory_space<vmem>>, vector<1000x256xf32>
    tpu.vector_store %arg5[%swap3A, %swap3A_29], %add3A_28 {strides = array<i32>} : memref<1000x256xf32, #tpu.memory_space<vmem>>, vector<1000x256xf32>,
    return
  }
  func.func @transform_0(%arg0: i32) -> (i32, i32) {
    %c0_i32 = arith.constant 0 : i32
    %c0_i32_0 = arith.constant 0 : i32
    return %arg0, %c0_i32 : i32, i32
  }
  func.func @transform_1(%arg0: i32) -> (i32, i32) {
    %c0_i32 = arith.constant 0 : i32
    %c0_i32_0 = arith.constant 0 : i32
    %c0_i32_1 = arith.constant 0 : i32
    return %c0_i32, %c0_i32_0 : i32, i32
  }
  func.func @transform_2(%arg0: i32) -> (i32, i32) {
    %c0_i32 = arith.constant 0 : i32
    %c0_i32_0 = arith.constant 0 : i32
    %c0_i32_1 = arith.constant 0 : i32
    return %c0_i32, %c0_i32_0 : i32, i32
  }
  func.func @transform_3(%arg0: i32) -> (i32, i32) {
    %c0_i32 = arith.constant 0 : i32
    %c0_i32_0 = arith.constant 0 : i32
    %c0_i32_1 = arith.constant 0 : i32
    return %c0_i32, %c0_i32_0 : i32, i32
  }
  func.func @transform_4(%arg0: i32) -> (i32, i32) {
    %c0_i32 = arith.constant 0 : i32
    %c0_i32_0 = arith.constant 0 : i32
    return %arg0, %c0_i32 : i32, i32
  }
}

</mosaic_0001>

<sc_bundles>
// kernel: kernel.11.cloned.1.call-start
scs
__scs_entry_jumppad:
0x0: {  	(pc) =	sbr.rel $0x88, $3  }
0x1: {  	(tag) =	ssettag $0x0;
	lr =	simm.s32 $0x1  }
0x2: {  	[smem:$0x3F98] =	sst lr;
	_ =	strace $0xD0000000  }
0x3: {  	_ = 	snop  }
0x4: {  	_ = 	snop  }
0x5: {  	_ = 	snop  }
0x6: {  	_ = 	snop  }
0x7: {  	_ = 	snop  }
__scs_overlays_trampoline_lowered:
0x8: {  	[smem:$0x3FA7] =	sst s0  }
0x9: {  	[smem:$0x3FA8] =	sst s1  }
0xa: {  	[smem:$0x3FA9] =	sst s2  }
0xb: {  	[smem:$0x3FAA] =	sst s3  }
0xc: {  	[smem:$0x3FAB] =	sst s4  }
0xd: {  	[smem:$0x3FAC] =	sst s5  }
0xe: {  	[smem:$0x3FAD] =	sst s6  }
0xf: {  	[smem:$0x3FAE] =	sst s7  }
0x10: {  	[smem:$0x3FAF] =	sst s8  }
0x11: {  	[smem:$0x3FB0] =	sst s9;
	s0 =	simm.s32 @!p0 $0x0  }
0x12: {  	s1 =	sld [smem:$0x3F96];
	s0 =	simm.s32 @p0 $0x1  }
0x13: {  	[smem:$0x3FB1] =	sst s0;
	s0 =	simm.s32 @!p1 $0x0  }
0x14: {  	s2 =	sld [smem:$0x3F95];
	s0 =	simm.s32 @p1 $0x1  }
0x15: {  	[smem:$0x3FB2] =	sst s0;
	s0 =	simm.s32 @!p2 $0x0  }
0x16: {  	s3 =	sld [smem:$0x3FDB];
	s0 =	simm.s32 @p2 $0x1  }
0x17: {  	s4 =	simm.s32 $0x1BF5;
	[smem:$0x3FB4] =	sst s0  }
0x18: {  	s0 =	sld [smem:$0x3F97];
	_ =	swait.ge [sflag:s4], $0x0  }
0x19: {  	s7 =	sld [smem:$0x3F98]  }
0x1a: {  	s8 =	sadd.s32 $0xFFFFE003, lr  }
0x1b: {  	s9 =	sadd.s32 $0xFFFFFEF7, lr;
	s5 =	simm.s32 $0xFFFFFFFF;
	p2 =	slt.u32 s8, $0xFFFFF086  }
0x1c: {  	p1 =	slt.u32 s9, $0xF7A;
	s5 =	simm.s32 @!p2 $0x0  }
0x1d: {  	s5 =	simm.s32 @p1 $0x1;
	p0 =	seq.s32 s7, s2  }
0x1e: {  	s7 =	smul.u32 @!p0 $0xF7A, s2;
	p2 =	seq.s32 @!p0 s5, $0x0  }
0x1f: {  	s9 =	smul.u32 $0xF7A, s1;
	s8 =	simm.s32 @!p0 $0x1BF5;
	p2 =	por !p2, p0  }
0x20: {  	[sflag:s8] =	ssyncset.s32 @!p0 $0xFFFFF086;
	s6 =	sadd.s32 @!p0 s3, s7;
	s7 =	simm.s32 @!p0 $0x108  }
0x21: {  	s3 =	sadd.s32 s3, s9;
	s6 =	sadd.s32 @!p0 $0x88, s6;
	s7 =	simm.s32 @p2 $0x1082  }
0x22: {  	[simem:s7], [sflag:s8] =	dma.local @!p0 [hbm:s6], $0xF7A  }
0x23: {  	s9 =	sor.u32 $0xD0000000, s2;
	s6 =	simm.s32 $0x108;
	_ =	swait.ge @!p0 [sflag:s8], $0x0  }
0x24: {  	s3 =	sadd.s32 $0x88, s3;
	s6 =	simm.s32 @!p1 $0x1082;
	[sflag:s4] =	ssyncset.s32 $0xFFFFF086  }
0x25: {  	[simem:s6], [sflag:s4] =	dma.local [hbm:s3], $0xF7A  }
0x26: {  	[smem:$0x3F98] =	sst s1;
	(tag) =	ssettag s2;
	_ =	strace s9  }
0x27: {  	s1 =	sld [smem:$0x3FA8]  }
0x28: {  	s2 =	sld [smem:$0x3FA9]  }
0x29: {  	s4 =	sld [smem:$0x3FAB]  }
0x2a: {  	p0 =	seq.s32 s5, $0x0;
	s5 =	sld [smem:$0x3FAC]  }
0x2b: {  	s6 =	sld [smem:$0x3FAD]  }
0x2c: {  	s7 =	sld [smem:$0x3FAE]  }
0x2d: {  	s3 =	simm.s32 $0x108;
	s8 =	sld [smem:$0x3FAF]  }
0x2e: {  	s3 =	simm.s32 @!p0 $0x1082;
	s9 =	sld [smem:$0x3FB0]  }
0x2f: {  	lr =	sadd.s32 s0, s3;
	s0 =	sld [smem:$0x3FA7]  }
0x30: {  	s3 =	sld [smem:$0x3FAA]  }
0x31: {  	[smem:$0x3FB3] =	sst s10  }
0x32: {  	s10 =	sld [smem:$0x3FB1];
	_ =	sdelay $0x3  }
0x33: {  	p0 =	seq.s32 s10, $0x1;
	s10 =	sld [smem:$0x3FB3];
	_ =	sdelay $0x3  }
0x34: {  	[smem:$0x3FB3] =	sst s10  }
0x35: {  	s10 =	sld [smem:$0x3FB2];
	_ =	sdelay $0x3  }
0x36: {  	p1 =	seq.s32 s10, $0x1;
	s10 =	sld [smem:$0x3FB3];
	_ =	sdelay $0x3  }
0x37: {  	[smem:$0x3FB3] =	sst s10  }
0x38: {  	s10 =	sld [smem:$0x3FB4]  }
0x39: {  	_ = 	snop;
	(pc) =	sbr.ind lr, $3  }
0x3a: {  	_ = 	snop  }
0x3b: {  	_ = 	snop  }
0x3c: {  	p2 =	seq.s32 s10, $0x1;
	s10 =	sld [smem:$0x3FB3]  }
0x3d: {  	_ =	shalt  }
0x3e: {  	_ =	shalt  }
0x3f: {  	_ =	shalt  }
0x40: {  	_ =	shalt  }
0x41: {  	_ =	shalt  }
0x42: {  	_ =	shalt  }
0x43: {  	_ =	shalt  }
0x44: {  	_ =	shalt  }
0x45: {  	_ =	shalt  }
0x46: {  	_ =	shalt  }
0x47: {  	_ =	shalt  }
0x48: {  	_ =	shalt  }
0x49: {  	_ =	shalt  }
0x4a: {  	_ =	shalt  }
0x4b: {  	_ =	shalt  }
0x4c: {  	_ =	shalt  }
0x4d: {  	_ =	shalt  }
0x4e: {  	_ =	shalt  }
0x4f: {  	_ =	shalt  }
0x50: {  	_ =	shalt  }
0x51: {  	_ =	shalt  }
0x52: {  	_ =	shalt  }
0x53: {  	_ =	shalt  }
0x54: {  	_ =	shalt  }
0x55: {  	_ =	shalt  }
0x56: {  	_ =	shalt  }
0x57: {  	_ =	shalt  }
0x58: {  	_ =	shalt  }
0x59: {  	_ =	shalt  }
0x5a: {  	_ =	shalt  }
0x5b: {  	_ =	shalt  }
0x5c: {  	_ =	shalt  }
0x5d: {  	_ =	shalt  }
0x5e: {  	_ =	shalt  }
0x5f: {  	_ =	shalt  }
0x60: {  	_ =	shalt  }
0x61: {  	_ =	shalt  }
0x62: {  	_ =	shalt  }
0x63: {  	_ =	shalt  }
0x64: {  	_ =	shalt  }
0x65: {  	_ =	shalt  }
0x66: {  	_ =	shalt  }
0x67: {  	_ =	shalt  }
0x68: {  	_ =	shalt  }
0x69: {  	_ =	shalt  }
0x6a: {  	_ =	shalt  }
0x6b: {  	_ =	shalt  }
0x6c: {  	_ =	shalt  }
0x6d: {  	_ =	shalt  }
0x6e: {  	_ =	shalt  }
0x6f: {  	_ =	shalt  }
0x70: {  	_ =	shalt  }
0x71: {  	_ =	shalt  }
0x72: {  	_ =	shalt  }
0x73: {  	_ =	shalt  }
0x74: {  	_ =	shalt  }
0x75: {  	_ =	shalt  }
0x76: {  	_ =	shalt  }
0x77: {  	_ =	shalt  }
0x78: {  	_ =	shalt  }
0x79: {  	_ =	shalt  }
0x7a: {  	_ =	shalt  }
0x7b: {  	_ =	shalt  }
0x7c: {  	_ =	shalt  }
0x7d: {  	_ =	shalt  }
0x7e: {  	_ =	shalt  }
0x7f: {  	_ =	shalt  }
0x80: {  	_ =	shalt  }
0x81: {  	_ =	shalt  }
0x82: {  	_ =	shalt  }
0x83: {  	_ =	shalt  }
0x84: {  	_ =	shalt  }
0x85: {  	_ =	shalt  }
0x86: {  	_ =	shalt  }
0x87: {  	_ =	shalt  }
.Lfunc_end0:
.L_simem_size_0:
called_computation.1_lowered:
.L_overlay_start_0:
0x88: {  	s2 =	sld [smem:$0x3FD9]  }
0x89: {  	s3 =	sld [smem:$0x3FFE];
	_ =	sdelay $0x1  }
0x8a: {  	s1 =	srdreg.scid  }
0x8b: {  	s0 =	sand.u32 $0x1, s1  }
0x8c: {  	s17 =	sshll.u32 s0, $0xA;
	s2 =	sadd.s32 s3, s2  }
0x8d: {  	s2 =	sadd.s32 s2, s17  }
0x8e: {  	[smem:$0x3FBF] =	sst s2  }
0x8f: {  	_ = 	snop  }
0x90: {  	s2 =	sld [smem:$0x3FD0];
	(tm) =	ssettm $0x1  }
0x91: {  	s18 =	sld [smem:$0x3FFB];
	_ =	sdelay $0x3  }
0x92: {  	_ =	strace s18  }
0x93: {  	s3 =	sld [smem:$0x3FFC];
	_ =	sdelay $0x3  }
0x94: {  	_ =	strace s3  }
0x95: {  	s3 =	sld [smem:$0x3FFD];
	_ =	sdelay $0x3  }
0x96: {  	_ =	strace s3  }
0x97: {  	_ =	strace $0x8FFFFFFF  }
0x98: {  	s19 =	sld [smem:$0x3FDB];
	_ =	sdelay $0x1  }
0x99: {  	s4 =	simm.s32 $_scs_section_size  }
0x9a: {  	s5 =	simm.s32 $_size__tile_overlayer_lowered;
	s6 =	simm.s32 $_tile_overlayer_lowered  }
0x9b: {  	s22 =	simm.s32 $0x1BFF;
	s21 =	sshll.u32 s6, $0x1;
	s3 =	sadd.s32 s4, s19  }
0x9c: {  	s7 =	simm.s32 $0x0;
	s20 =	sshll.u32 s5, $0x1;
	s5 =	sadd.s32 s21, s3  }
0x9d: {  	[timem:s7], [sflag:s22] =	dma.local [hbm:s5], s20  }
0x9e: {  	_ =	swait.ge [sflag:s22], s20  }
0x9f: {  	s4 =	ssub.s32 $0x0, s20;
	[sflag:s22] =	ssyncset.done $0x0  }
0xa0: {  	[sflag:s22] =	ssyncadd.s32 s4;
	_ =	sdelay $0x1  }
0xa1: {  	s23 =	simm.s32 $0x1B8B  }
0xa2: {  	_ =	swait.ge [sflag:s23], $0x1  }
0xa3: {  	[sflag:s23] =	ssyncset.done $0x0  }
0xa4: {  	s25 =	simm.s32 $0x1B8E;
	s24 =	sld [smem:$0x3FFE];
	[sflag:s23] =	ssyncadd.s32 $0xFFFFFFFF  }
0xa5: {  	s26 =	simm.s32 $execute0_lowered;
	[smem:$0x3FD2] =	sst s25  }
0xa6: {  	s5 =	sshll.u32 s26, $0x1;
	_ =	strace $0x80000049;
	[dreg:$0x1] =	wrdreg $0xFFFFFFFF  }
0xa7: {  	s28 =	simm.s32 $_size_execute0_lowered;
	s3 =	sadd.s32 s3, s5;
	[dreg:$0x0] =	wrdreg $0x0  }
0xa8: {  	s5 =	sshll.u32 s28, $0x1;
	[dreg:$0x2] =	wrdreg s3  }
0xa9: {  	[dreg:$0x3] =	wrdreg s5  }
0xaa: {  	[dreg:$0x4] =	wrdreg $0xC0  }
0xab: {  	_ =	task [dreg:s7], $0x5FFFF  }
0xac: {  	[dreg:$0x1] =	wrdreg $0xFFFFFFFF  }
0xad: {  	[dreg:$0x0] =	wrdreg $0x60  }
0xae: {  	[dreg:$0x2] =	wrdreg s2  }
0xaf: {  	[dreg:$0x3] =	wrdreg s24  }
0xb0: {  	[dreg:$0x4] =	wrdreg $0xA8000  }
0xb1: {  	[dreg:$0x5] =	wrdreg $0x9  }
0xb2: {  	_ =	task.clear_ibuf [dreg:s7], $0x6FFFF;
	_ =	strace $0x90000049  }
0xb3: {  	s29 =	simm.s32 $0x9;
	_ =	strace $0x8000004B  }
0xb4: {  	_ =	swait.ge [sflag:s29], $0x1  }
0xb5: {  	[sflag:s29] =	ssyncadd.s32 $0xFFFFFFFF  }
0xb6: {  	_ =	strace $0x9000004B  }
0xb7: {  	_ =	sfence  }
0xb8: {  	s30 =	sld [smem:$0x0];
	_ =	sdelay $0x2  }
0xb9: {  	s31 =	sshll.u32 s1, $0xD;
	s1 =	sshrl.u32 s1, $0x2  }
0xba: {  	s3 =	sand.u32 $0x4000, s31;
	s1 =	sadd.s32 s1, s30  }
0xbb: {  	s0 =	sor.u32 s3, s0;
	s1 =	sshll.u32 s1, $0x11  }
0xbc: {  	s0 =	sor.u32 s1, s0  }
0xbd: {  	s0 =	sadd.s32 $0x8F2B, s0  }
0xbe: {  	[sflag:s0] =	ssyncadd.remote.s32 $0x1  }
0xbf: {  	_ =	sfence.sel $0xFFFF  }
0xc0: {  	[dreg:$0x0] =	wrdreg $0xFFFFFFFF;
	(pc) =	sbr.abs _section_cstart, $3  }
0xc1: {  	[dreg:$0x1] =	wrdreg $0xFFFFFFFF  }
0xc2: {  	_ =	task.clear_ibuf [dreg:s7], $0x2FFFF;
	_ =	strace $0x9FFFFFFF  }
0xc3: {  	(tm) =	ssettm $0x7FFFFFFF  }
tec
execute0_lowered:
.L_overlay_start_1:
0x0: {  	(tag) =	ssettag $0x1  }
0x1: {  	s1 =	rddreg [dreg:$0x0]  }
0x2: {  	s6 =	rddreg [dreg:$0x1]  }
0x3: {  	s2 =	rddreg [dreg:$0x2]  }
0x4: {  	s0 =	rddreg [dreg:$0x3];
	s4 =	simm.s32 $0x0  }
0x5: {  	s3 =	srdreg.scid;
	s18 =	simm.s32 $0x2800;
	s19 =	simm.s32 $0x3  }
0x6: {  	s20 =	simm.s32 $0x1400;
	s21 =	simm.s32 $0x80;
	s22 =	simm.s32 $0x1  }
0x7: {  	s23 =	simm.s32 $0x6800;
	s24 =	simm.s32 $0x2;
	s9 =	sand.u32 $0x1, s3  }
0x8: {  	s25 =	simm.s32 $0x2700;
	s3 =	stileid.u32;
	s7 =	smul.u32 $0x140000, s9  }
0x9: {  	s26 =	simm.s32 $0x2780;
	[smem:$0x7FF] =	sst s4;
	s8 =	smul.u32 $0x14000, s3  }
0xa: {  	s5 =	sadd.s32 $0x5C600, s6;
	s10 =	sadd.s32 $0x57600, s6;
	s12 =	smul.u32 $0x50000, s3  }
0xb: {  	s11 =	sadd.s32 $0x2600, s6;
	s29 =	ssub.s32 $0x2, s9;
	s13 =	smul.u32 $0x280, s3  }
0xc: {  	_ =	strace $0x8000004A;
	s15 =	smul.u32 $0x1400, s3;
	s14 =	sshrl.u32 s29, $0x1  }
0xd: {  	p0 =	seq.s32 s9, $0x0;
	s7 =	sadd.s32 s8, s7;
	s14 =	ssub.s32 s29, s14  }
0xe: {  	s30 =	sshrl.u32 s12, $0x2;
	s31 =	sshrl.u32 s15, $0x3;
	s8 =	sadd.s32 s11, s13  }
0xf: {  	s15 =	smov.u32 s5;
	s7 =	sshrl.u32 s7, $0x3;
	s12 =	sadd.s32 $0x2800, s31  }
0x10: {  	s15 =	smov.u32 @p0 s1;
	s16 =	sadd.s32 s7, s6;
	s6 =	sadd.s32 s30, s2  }
0x11: {  	s7 =	sadd.s32 s10, s13;
	s9 =	sadd.s32 s10, s12;
	s10 =	sadd.s32 s11, s12  }
0x12: {  	s12 =	smax.u32 s14, $0x1;
	s11 =	sadd.s32 $0x83800, s16;
	s13 =	sadd.s32 $0x4000, s6  }
0x13: {  	v0 =	vimm.f32 $0.0e+00;
	s14 =	sadd.s32 $0x8000, s6;
	s16 =	sadd.s32 $0xC000, s6;
	s17 =	sadd.s32 $0x10000, s6  }
.LBB2_1:
0x14: {  	s28 =	simm.s32 $0x0;
	s29 =	simm.s32 $0x200  }
.LBB2_2:
0x15: {  	p1 =	sne.s32 s29, $0xFE00;
	[tilespmem:s28+$0x2870] =	vst v0  }
0x16: {  	[tilespmem:s28+$0x2800] =	vst v0  }
0x17: {  	[tilespmem:s28+$0x2810] =	vst v0  }
.Ltmp0:
0x18: {  	[tilespmem:s28+$0x2820] =	vst v0;
	(pc) =	sbr.rel @p1 .LBB2_2-.Ltmp0, $4  }
0x19: {  	[tilespmem:s28+$0x2830] =	vst v0  }
0x1a: {  	[tilespmem:s28+$0x2840] =	vst v0  }
0x1b: {  	[tilespmem:s28+$0x2850] =	vst v0  }
0x1c: {  	[tilespmem:s28+$0x2860] =	vst v0;
	s28 =	sshra.s32 s29, $0x2;
	s29 =	sadd.s32 $0x200, s29  }
0x1d: {  	[tilespmem:s28+$0x2870] =	vst v0  }
0x1e: {  	[tilespmem:s28+$0x2800] =	vst v0  }
0x1f: {  	[tilespmem:s28+$0x2810] =	vst v0  }
0x20: {  	[tilespmem:s28+$0x2820] =	vst v0  }
0x21: {  	[tilespmem:s28+$0x2830] =	vst v0  }
0x22: {  	[tilespmem:s28+$0x2840] =	vst v0  }
0x23: {  	[tilespmem:s28+$0x2850] =	vst v0  }
0x24: {  	[tilespmem:s28+$0x2860] =	vst v0  }
0x25: {  	[spmem:s6] =	stream.linear.scatter [tilespmem:s18], [sflag:$0x3], $0x4000, $0x38;
	[tilespmem:$0x1E800] =	vst v63  }
0x26: {  	_ =	swait.ge [sflag:s19], $0x4000  }
0x27: {  	[sflag:s19] =	ssyncset.done $0x0  }
0x28: {  	[sflag:s19] =	ssyncadd.s32 $0xFFFFC000  }
0x29: {  	[spmem:s13] =	stream.linear.scatter [tilespmem:s18], [sflag:$0x3], $0x4000, $0x38;
	[tilespmem:$0x1E800] =	vst v63  }
0x2a: {  	_ =	swait.ge [sflag:s19], $0x4000  }
0x2b: {  	[sflag:s19] =	ssyncset.done $0x0  }
0x2c: {  	[sflag:s19] =	ssyncadd.s32 $0xFFFFC000  }
0x2d: {  	[spmem:s14] =	stream.linear.scatter [tilespmem:s18], [sflag:$0x3], $0x4000, $0x38;
	[tilespmem:$0x1E800] =	vst v63  }
0x2e: {  	_ =	swait.ge [sflag:s19], $0x4000  }
0x2f: {  	[sflag:s19] =	ssyncset.done $0x0  }
0x30: {  	[sflag:s19] =	ssyncadd.s32 $0xFFFFC000  }
0x31: {  	[spmem:s16] =	stream.linear.scatter [tilespmem:s18], [sflag:$0x3], $0x4000, $0x38;
	[tilespmem:$0x1E800] =	vst v63  }
0x32: {  	_ =	swait.ge [sflag:s19], $0x4000  }
0x33: {  	[sflag:s19] =	ssyncset.done $0x0  }
0x34: {  	[sflag:s19] =	ssyncadd.s32 $0xFFFFC000  }
0x35: {  	[spmem:s17] =	stream.linear.scatter [tilespmem:s18], [sflag:$0x3], $0x4000, $0x38;
	[tilespmem:$0x1E800] =	vst v63  }
0x36: {  	_ =	swait.ge [sflag:s19], $0x4000  }
0x37: {  	[sflag:s19] =	ssyncset.done $0x0  }
0x38: {  	[sflag:s19] =	ssyncadd.s32 $0xFFFFC000  }
0x39: {  	s28 =	simm.s32 $0x0;
	[bflag:$0x0] =	sbarrier.arrive $0xFFFF  }
0x3a: {  	[tilespmem:s28], [sflag:$0x3] =	stream.linear.gather [hbm4b:s7+s28], $0x1400, $0x38;
	[tilespmem:$0x1E800] =	vst v63  }
0x3b: {  	_ =	swait.ge [sflag:s19], $0x1400  }
0x3c: {  	[sflag:s19] =	ssyncset.done $0x0  }
0x3d: {  	[sflag:s19] =	ssyncadd.s32 $0xFFFFEC00  }
0x3e: {  	[tilespmem:s20], [sflag:$0x3] =	stream.linear.gather [hbm4b:s8+s28], $0x1400, $0x38;
	[tilespmem:$0x1E800] =	vst v63  }
0x3f: {  	_ =	swait.ge [sflag:s19], $0x1400  }
0x40: {  	[sflag:s19] =	ssyncset.done $0x0  }
0x41: {  	[sflag:s19] =	ssyncadd.s32 $0xFFFFEC00  }
0x42: {  	[tilespmem:s18], [sflag:$0x1] =	stream.indirect.gather [hbm4b:s15+s21], $0x80, s28, s21, $0xb8;
	[tilespmem:$0x1E800] =	vst v63  }
0x43: {  	_ =	swait.ge [sflag:s22], $0x4000  }
0x44: {  	[sflag:s22] =	ssyncset.done $0x0  }
0x45: {  	s28 =	simm.s32 $0x80;
	[sflag:s22] =	ssyncadd.s32 $0xFFFFC000  }
0x46: {  	[tilespmem:s23], [sflag:$0x2] =	stream.indirect.gather [hbm4b:s15+s21], $0x80, s28, s21, $0xb8;
	[tilespmem:$0x1E800] =	vst v63  }
0x47: {  	s28 =	simm.s32 $0x1400  }
0x48: {  	[spmem:s2] =	stream.indirect.scatter.add.f32 [tilespmem:s18], [sflag:$0x3], $0x80, s28, s21, $0xb8;
	[tilespmem:$0x1E800] =	vst v63  }
0x49: {  	_ =	swait.ge [sflag:s19], $0x4000  }
0x4a: {  	[sflag:s19] =	ssyncset.done $0x0  }
0x4b: {  	[sflag:s19] =	ssyncadd.s32 $0xFFFFC000  }
0x4c: {  	_ =	swait.ge [sflag:s24], $0x4000  }
0x4d: {  	[sflag:s24] =	ssyncset.done $0x0  }
0x4e: {  	s28 =	simm.s32 $0x100;
	[sflag:s24] =	ssyncadd.s32 $0xFFFFC000  }
0x4f: {  	[tilespmem:s18], [sflag:$0x1] =	stream.indirect.gather [hbm4b:s15+s21], $0x80, s28, s21, $0xb8;
	[tilespmem:$0x1E800] =	vst v63  }
0x50: {  	s28 =	simm.s32 $0x1480  }
0x51: {  	[spmem:s2] =	stream.indirect.scatter.add.f32 [tilespmem:s23], [sflag:$0x3], $0x80, s28, s21, $0xb8;
	[tilespmem:$0x1E800] =	vst v63  }
0x52: {  	_ =	swait.ge [sflag:s19], $0x4000  }
0x53: {  	s28 =	simm.s32 $0x400;
	[sflag:s19] =	ssyncset.done $0x0  }
.LBB2_4:
0x54: {  	p1 =	sne.s32 s28, $0x4800  }
0x55: {  	[sflag:s19] =	ssyncadd.s32 $0xFFFFC000;
	s29 =	smov.u32 s28;
	s28 =	sadd.s32 $0x400, s28  }
0x56: {  	_ = 	snop  }
0x57: {  	_ =	swait.ge [sflag:s22], $0x4000  }
0x58: {  	s29 =	sshra.s32 s29, $0x2;
	[sflag:s22] =	ssyncset.done $0x0  }
0x59: {  	s30 =	sadd.s32 $0x80, s29;
	[sflag:s22] =	ssyncadd.s32 $0xFFFFC000  }
0x5a: {  	[tilespmem:s23], [sflag:$0x2] =	stream.indirect.gather [hbm4b:s15+s21], $0x80, s30, s21, $0xb8;
	[tilespmem:$0x1E800] =	vst v63  }
0x5b: {  	s30 =	sadd.s32 $0x1400, s29  }
0x5c: {  	[spmem:s2] =	stream.indirect.scatter.add.f32 [tilespmem:s18], [sflag:$0x3], $0x80, s30, s21, $0xb8;
	[tilespmem:$0x1E800] =	vst v63  }
0x5d: {  	_ =	swait.ge [sflag:s19], $0x4000  }
0x5e: {  	[sflag:s19] =	ssyncset.done $0x0  }
0x5f: {  	[sflag:s19] =	ssyncadd.s32 $0xFFFFC000  }
0x60: {  	_ =	swait.ge [sflag:s24], $0x4000  }
0x61: {  	[sflag:s24] =	ssyncset.done $0x0  }
0x62: {  	s30 =	sadd.s32 $0x100, s29;
	[sflag:s24] =	ssyncadd.s32 $0xFFFFC000  }
0x63: {  	[tilespmem:s18], [sflag:$0x1] =	stream.indirect.gather [hbm4b:s15+s21], $0x80, s30, s21, $0xb8;
	[tilespmem:$0x1E800] =	vst v63  }
.Ltmp1:
0x64: {  	_ = 	snop;
	(pc) =	sbr.rel @p1 .LBB2_4-.Ltmp1, $4  }
0x65: {  	s29 =	sadd.s32 $0x1480, s29  }
0x66: {  	[spmem:s2] =	stream.indirect.scatter.add.f32 [tilespmem:s23], [sflag:$0x3], $0x80, s29, s21, $0xb8;
	[tilespmem:$0x1E800] =	vst v63  }
0x67: {  	_ =	swait.ge [sflag:s19], $0x4000  }
0x68: {  	[sflag:s19] =	ssyncset.done $0x0  }
0x69: {  	[sflag:s19] =	ssyncadd.s32 $0xFFFFC000  }
0x6a: {  	_ =	swait.ge [sflag:s22], $0x4000  }
0x6b: {  	s28 =	simm.s32 @p0 $0x80;
	[sflag:s22] =	ssyncset.done $0x0  }
0x6c: {  	s29 =	simm.s32 @p0 $0x1380;
	s30 =	simm.s32 @p0 $0x6800;
	[sflag:s22] =	ssyncadd.s32 $0xFFFFC000  }
0x6d: {  	[tilespmem:s30], [sflag:$0x2] =	stream.indirect.gather @p0 [hbm4b:s1+s28], $0x80, s29, s28, $0xb8;
	[tilespmem:$0x1E800] =	vst v63  }
0x6e: {  	s28 =	simm.s32 @!p0 $0x80;
	s29 =	simm.s32 @!p0 $0x1380;
	s30 =	simm.s32 @!p0 $0x6800  }
0x6f: {  	[tilespmem:s30], [sflag:$0x2] =	stream.indirect.gather @!p0 [hbm4b:s5+s28], $0x80, s29, s28, $0xb8;
	[tilespmem:$0x1E800] =	vst v63  }
0x70: {  	_ = 	snop  }
0x71: {  	[spmem:s2] =	stream.indirect.scatter.add.f32 [tilespmem:s18], [sflag:$0x3], $0x80, s25, s21, $0xb8;
	[tilespmem:$0x1E800] =	vst v63  }
0x72: {  	_ =	swait.ge [sflag:s19], $0x4000  }
0x73: {  	[sflag:s19] =	ssyncset.done $0x0  }
0x74: {  	[sflag:s19] =	ssyncadd.s32 $0xFFFFC000  }
0x75: {  	_ =	swait.ge [sflag:s24], $0x4000  }
0x76: {  	[sflag:s24] =	ssyncset.done $0x0  }
0x77: {  	[sflag:s24] =	ssyncadd.s32 $0xFFFFC000  }
0x78: {  	[spmem:s2] =	stream.indirect.scatter.add.f32 [tilespmem:s23], [sflag:$0x3], $0x80, s26, s21, $0xb8;
	[tilespmem:$0x1E800] =	vst v63  }
0x79: {  	_ =	swait.ge [sflag:s19], $0x4000  }
0x7a: {  	[sflag:s19] =	ssyncset.done $0x0  }
0x7b: {  	s28 =	simm.s32 $0x0;
	[sflag:s19] =	ssyncadd.s32 $0xFFFFC000  }
0x7c: {  	[tilespmem:s28], [sflag:$0x3] =	stream.linear.gather [hbm4b:s9+s28], $0x1400, $0x38;
	[tilespmem:$0x1E800] =	vst v63  }
0x7d: {  	_ =	swait.ge [sflag:s19], $0x1400  }
0x7e: {  	[sflag:s19] =	ssyncset.done $0x0  }
0x7f: {  	[sflag:s19] =	ssyncadd.s32 $0xFFFFEC00  }
0x80: {  	[tilespmem:s20], [sflag:$0x3] =	stream.linear.gather [hbm4b:s10+s28], $0x1400, $0x38;
	[tilespmem:$0x1E800] =	vst v63  }
0x81: {  	_ =	swait.ge [sflag:s19], $0x1400  }
0x82: {  	[sflag:s19] =	ssyncset.done $0x0  }
0x83: {  	[sflag:s19] =	ssyncadd.s32 $0xFFFFEC00  }
0x84: {  	[tilespmem:s18], [sflag:$0x1] =	stream.indirect.gather [hbm4b:s15+s21], $0x80, s28, s21, $0xb8;
	[tilespmem:$0x1E800] =	vst v63  }
0x85: {  	_ =	swait.ge [sflag:s22], $0x4000  }
0x86: {  	[sflag:s22] =	ssyncset.done $0x0  }
0x87: {  	s28 =	simm.s32 $0x80;
	[sflag:s22] =	ssyncadd.s32 $0xFFFFC000  }
0x88: {  	[tilespmem:s23], [sflag:$0x2] =	stream.indirect.gather [hbm4b:s15+s21], $0x80, s28, s21, $0xb8;
	[tilespmem:$0x1E800] =	vst v63  }
0x89: {  	s28 =	simm.s32 $0x1400  }
0x8a: {  	[spmem:s2] =	stream.indirect.scatter.add.f32 [tilespmem:s18], [sflag:$0x3], $0x80, s28, s21, $0xb8;
	[tilespmem:$0x1E800] =	vst v63  }
0x8b: {  	_ =	swait.ge [sflag:s19], $0x4000  }
0x8c: {  	[sflag:s19] =	ssyncset.done $0x0  }
0x8d: {  	[sflag:s19] =	ssyncadd.s32 $0xFFFFC000  }
0x8e: {  	_ =	swait.ge [sflag:s24], $0x4000  }
0x8f: {  	[sflag:s24] =	ssyncset.done $0x0  }
0x90: {  	s28 =	simm.s32 $0x100;
	[sflag:s24] =	ssyncadd.s32 $0xFFFFC000  }
0x91: {  	[tilespmem:s18], [sflag:$0x1] =	stream.indirect.gather [hbm4b:s15+s21], $0x80, s28, s21, $0xb8;
	[tilespmem:$0x1E800] =	vst v63  }
0x92: {  	s28 =	simm.s32 $0x1480  }
0x93: {  	[spmem:s2] =	stream.indirect.scatter.add.f32 [tilespmem:s23], [sflag:$0x3], $0x80, s28, s21, $0xb8;
	[tilespmem:$0x1E800] =	vst v63  }
0x94: {  	_ =	swait.ge [sflag:s19], $0x4000  }
0x95: {  	s28 =	simm.s32 $0x400;
	[sflag:s19] =	ssyncset.done $0x0  }
.LBB2_6:
0x96: {  	p1 =	sne.s32 s28, $0x4800  }
0x97: {  	[sflag:s19] =	ssyncadd.s32 $0xFFFFC000;
	s29 =	smov.u32 s28;
	s28 =	sadd.s32 $0x400, s28  }
0x98: {  	_ = 	snop  }
0x99: {  	_ =	swait.ge [sflag:s22], $0x4000  }
0x9a: {  	s29 =	sshra.s32 s29, $0x2;
	[sflag:s22] =	ssyncset.done $0x0  }
0x9b: {  	s30 =	sadd.s32 $0x80, s29;
	[sflag:s22] =	ssyncadd.s32 $0xFFFFC000  }
0x9c: {  	[tilespmem:s23], [sflag:$0x2] =	stream.indirect.gather [hbm4b:s15+s21], $0x80, s30, s21, $0xb8;
	[tilespmem:$0x1E800] =	vst v63  }
0x9d: {  	s30 =	sadd.s32 $0x1400, s29  }
0x9e: {  	[spmem:s2] =	stream.indirect.scatter.add.f32 [tilespmem:s18], [sflag:$0x3], $0x80, s30, s21, $0xb8;
	[tilespmem:$0x1E800] =	vst v63  }
0x9f: {  	_ =	swait.ge [sflag:s19], $0x4000  }
0xa0: {  	[sflag:s19] =	ssyncset.done $0x0  }
0xa1: {  	[sflag:s19] =	ssyncadd.s32 $0xFFFFC000  }
0xa2: {  	_ =	swait.ge [sflag:s24], $0x4000  }
0xa3: {  	[sflag:s24] =	ssyncset.done $0x0  }
0xa4: {  	s30 =	sadd.s32 $0x100, s29;
	[sflag:s24] =	ssyncadd.s32 $0xFFFFC000  }
0xa5: {  	[tilespmem:s18], [sflag:$0x1] =	stream.indirect.gather [hbm4b:s15+s21], $0x80, s30, s21, $0xb8;
	[tilespmem:$0x1E800] =	vst v63  }
.Ltmp2:
0xa6: {  	_ = 	snop;
	(pc) =	sbr.rel @p1 .LBB2_6-.Ltmp2, $4  }
0xa7: {  	s29 =	sadd.s32 $0x1480, s29  }
0xa8: {  	[spmem:s2] =	stream.indirect.scatter.add.f32 [tilespmem:s23], [sflag:$0x3], $0x80, s29, s21, $0xb8;
	[tilespmem:$0x1E800] =	vst v63  }
0xa9: {  	_ =	swait.ge [sflag:s19], $0x4000  }
0xaa: {  	[sflag:s19] =	ssyncset.done $0x0  }
0xab: {  	[sflag:s19] =	ssyncadd.s32 $0xFFFFC000  }
0xac: {  	_ =	swait.ge [sflag:s22], $0x4000  }
0xad: {  	s28 =	simm.s32 @p0 $0x80;
	[sflag:s22] =	ssyncset.done $0x0  }
0xae: {  	s29 =	simm.s32 @p0 $0x1380;
	s30 =	simm.s32 @p0 $0x6800;
	[sflag:s22] =	ssyncadd.s32 $0xFFFFC000  }
0xaf: {  	[tilespmem:s30], [sflag:$0x2] =	stream.indirect.gather @p0 [hbm4b:s1+s28], $0x80, s29, s28, $0xb8;
	[tilespmem:$0x1E800] =	vst v63  }
0xb0: {  	s28 =	simm.s32 @!p0 $0x80;
	s29 =	simm.s32 @!p0 $0x1380;
	s30 =	simm.s32 @!p0 $0x6800  }
0xb1: {  	[tilespmem:s30], [sflag:$0x2] =	stream.indirect.gather @!p0 [hbm4b:s5+s28], $0x80, s29, s28, $0xb8;
	[tilespmem:$0x1E800] =	vst v63  }
0xb2: {  	_ = 	snop  }
0xb3: {  	[spmem:s2] =	stream.indirect.scatter.add.f32 [tilespmem:s18], [sflag:$0x3], $0x80, s25, s21, $0xb8;
	[tilespmem:$0x1E800] =	vst v63  }
0xb4: {  	_ =	swait.ge [sflag:s19], $0x4000  }
0xb5: {  	[sflag:s19] =	ssyncset.done $0x0  }
0xb6: {  	[sflag:s19] =	ssyncadd.s32 $0xFFFFC000  }
0xb7: {  	_ =	swait.ge [sflag:s24], $0x4000  }
0xb8: {  	[sflag:s24] =	ssyncset.done $0x0  }
0xb9: {  	[sflag:s24] =	ssyncadd.s32 $0xFFFFC000  }
0xba: {  	[spmem:s2] =	stream.indirect.scatter.add.f32 [tilespmem:s23], [sflag:$0x3], $0x80, s26, s21, $0xb8;
	[tilespmem:$0x1E800] =	vst v63  }
0xbb: {  	_ =	swait.ge [sflag:s19], $0x4000  }
0xbc: {  	s31 =	sshrl.u32 s6, $0x3;
	s4 =	sadd.s32 $0x1, s4;
	[sflag:s19] =	ssyncset.done $0x0  }
0xbd: {  	p1 =	sne.s32 s4, s12;
	s30 =	sshll.u32 s3, $0x6;
	[sflag:s19] =	ssyncadd.s32 $0xFFFFC000  }
.Ltmp3:
0xbe: {  	s28 =	sor.u32 $0x1C03, s30;
	[bflag:$0x0] =	sbarrier.arrive $0xFFFF;
	(pc) =	sbr.rel @p1 .LBB2_1-.Ltmp3, $4  }
0xbf: {  	[hbm:s11], [sflag:s28] =	dma.local [spmem:s31], $0x2800  }
0xc0: {  	_ =	swait.ge [sflag:s19], $0x2800  }
0xc1: {  	[sflag:s19] =	ssyncset.done $0x0  }
0xc2: {  	[sflag:s19] =	ssyncadd.s32 $0xFFFFD800  }
0xc3: {  	_ =	sfence.sel $0x180000  }
0xc4: {  	[bflag:$0x0] =	sbarrier.arrive $0xFFFF  }
0xc5: {  	p0 =	sne.s32 s3, $0x0;
	_ =	strace $0x9000004A  }
0xc6: {  	s0 =	sadd.s32 @!p0 $0x100000, s0;
	[bflag:$0x2] =	sbarrier.arrive $0xFFFF  }
0xc7: {  	[sflag:s0] =	ssyncadd.tile.s32 @!p0 $0x1;
	_ =	shalt  }
.Lfunc_end2:
_tile_overlayer_lowered:
.L_overlay_start_2:
0xc8: {  	(tag) =	ssettag $0x2  }
0xc9: {  	s0 =	rddreg [dreg:$0x0];
	s2 =	stileid.u32  }
0xca: {  	s1 =	rddreg [dreg:$0x1];
	p0 =	sne.s32 s2, $0x0  }
0xcb: {  	s3 =	rddreg [dreg:$0x2];
	[bflag:$0x3] =	sbarrier.arrive $0xFFFF;
	s2 =	simm.s32 @!p0 $0x1C03  }
0xcc: {  	[timem:s3], [sflag:s2] =	dma.local @!p0 [hbm:s0], s1  }
0xcd: {  	s0 =	simm.s32 @!p0 $0x3  }
0xce: {  	_ =	swait.ge @!p0 [sflag:s0], s1  }
0xcf: {  	s1 =	ssub.s32 @!p0 $0x0, s1;
	[sflag:s0] =	ssyncset.done @!p0 $0x0  }
0xd0: {  	[sflag:s0] =	ssyncadd.s32 @!p0 s1  }
0xd1: {  	[bflag:$0x3] =	sbarrier.arrive $0xFFFF  }
0xd2: {  	_ =	shalt  }

// kernel: kernel.8.cloned.1.call-start
scs
__scs_entry_jumppad:
0x0: {  	(pc) =	sbr.rel $0x88, $3  }
0x1: {  	(tag) =	ssettag $0x0;
	lr =	simm.s32 $0x1  }
0x2: {  	[smem:$0x3F98] =	sst lr;
	_ =	strace $0xD0000000  }
0x3: {  	_ = 	snop  }
0x4: {  	_ = 	snop  }
0x5: {  	_ = 	snop  }
0x6: {  	_ = 	snop  }
0x7: {  	_ = 	snop  }
__scs_overlays_trampoline_lowered:
0x8: {  	[smem:$0x3FA7] =	sst s0  }
0x9: {  	[smem:$0x3FA8] =	sst s1  }
0xa: {  	[smem:$0x3FA9] =	sst s2  }
0xb: {  	[smem:$0x3FAA] =	sst s3  }
0xc: {  	[smem:$0x3FAB] =	sst s4  }
0xd: {  	[smem:$0x3FAC] =	sst s5  }
0xe: {  	[smem:$0x3FAD] =	sst s6  }
0xf: {  	[smem:$0x3FAE] =	sst s7  }
0x10: {  	[smem:$0x3FAF] =	sst s8  }
0x11: {  	[smem:$0x3FB0] =	sst s9;
	s0 =	simm.s32 @!p0 $0x0  }
0x12: {  	s1 =	sld [smem:$0x3F96];
	s0 =	simm.s32 @p0 $0x1  }
0x13: {  	[smem:$0x3FB1] =	sst s0;
	s0 =	simm.s32 @!p1 $0x0  }
0x14: {  	s2 =	sld [smem:$0x3F95];
	s0 =	simm.s32 @p1 $0x1  }
0x15: {  	[smem:$0x3FB2] =	sst s0;
	s0 =	simm.s32 @!p2 $0x0  }
0x16: {  	s3 =	sld [smem:$0x3FDB];
	s0 =	simm.s32 @p2 $0x1  }
0x17: {  	s4 =	simm.s32 $0x1BF5;
	[smem:$0x3FB4] =	sst s0  }
0x18: {  	s0 =	sld [smem:$0x3F97];
	_ =	swait.ge [sflag:s4], $0x0  }
0x19: {  	s7 =	sld [smem:$0x3F98]  }
0x1a: {  	s8 =	sadd.s32 $0xFFFFE003, lr  }
0x1b: {  	s9 =	sadd.s32 $0xFFFFFEF7, lr;
	s5 =	simm.s32 $0xFFFFFFFF;
	p2 =	slt.u32 s8, $0xFFFFF086  }
0x1c: {  	p1 =	slt.u32 s9, $0xF7A;
	s5 =	simm.s32 @!p2 $0x0  }
0x1d: {  	s5 =	simm.s32 @p1 $0x1;
	p0 =	seq.s32 s7, s2  }
0x1e: {  	s7 =	smul.u32 @!p0 $0xF7A, s2;
	p2 =	seq.s32 @!p0 s5, $0x0  }
0x1f: {  	s9 =	smul.u32 $0xF7A, s1;
	s8 =	simm.s32 @!p0 $0x1BF5;
	p2 =	por !p2, p0  }
0x20: {  	[sflag:s8] =	ssyncset.s32 @!p0 $0xFFFFF086;
	s6 =	sadd.s32 @!p0 s3, s7;
	s7 =	simm.s32 @!p0 $0x108  }
0x21: {  	s3 =	sadd.s32 s3, s9;
	s6 =	sadd.s32 @!p0 $0x88, s6;
	s7 =	simm.s32 @p2 $0x1082  }
0x22: {  	[simem:s7], [sflag:s8] =	dma.local @!p0 [hbm:s6], $0xF7A  }
0x23: {  	s9 =	sor.u32 $0xD0000000, s2;
	s6 =	simm.s32 $0x108;
	_ =	swait.ge @!p0 [sflag:s8], $0x0  }
0x24: {  	s3 =	sadd.s32 $0x88, s3;
	s6 =	simm.s32 @!p1 $0x1082;
	[sflag:s4] =	ssyncset.s32 $0xFFFFF086  }
0x25: {  	[simem:s6], [sflag:s4] =	dma.local [hbm:s3], $0xF7A  }
0x26: {  	[smem:$0x3F98] =	sst s1;
	(tag) =	ssettag s2;
	_ =	strace s9  }
0x27: {  	s1 =	sld [smem:$0x3FA8]  }
0x28: {  	s2 =	sld [smem:$0x3FA9]  }
0x29: {  	s4 =	sld [smem:$0x3FAB]  }
0x2a: {  	p0 =	seq.s32 s5, $0x0;
	s5 =	sld [smem:$0x3FAC]  }
0x2b: {  	s6 =	sld [smem:$0x3FAD]  }
0x2c: {  	s7 =	sld [smem:$0x3FAE]  }
0x2d: {  	s3 =	simm.s32 $0x108;
	s8 =	sld [smem:$0x3FAF]  }
0x2e: {  	s3 =	simm.s32 @!p0 $0x1082;
	s9 =	sld [smem:$0x3FB0]  }
0x2f: {  	lr =	sadd.s32 s0, s3;
	s0 =	sld [smem:$0x3FA7]  }
0x30: {  	s3 =	sld [smem:$0x3FAA]  }
0x31: {  	[smem:$0x3FB3] =	sst s10  }
0x32: {  	s10 =	sld [smem:$0x3FB1];
	_ =	sdelay $0x3  }
0x33: {  	p0 =	seq.s32 s10, $0x1;
	s10 =	sld [smem:$0x3FB3];
	_ =	sdelay $0x3  }
0x34: {  	[smem:$0x3FB3] =	sst s10  }
0x35: {  	s10 =	sld [smem:$0x3FB2];
	_ =	sdelay $0x3  }
0x36: {  	p1 =	seq.s32 s10, $0x1;
	s10 =	sld [smem:$0x3FB3];
	_ =	sdelay $0x3  }
0x37: {  	[smem:$0x3FB3] =	sst s10  }
0x38: {  	s10 =	sld [smem:$0x3FB4]  }
0x39: {  	_ = 	snop;
	(pc) =	sbr.ind lr, $3  }
0x3a: {  	_ = 	snop  }
0x3b: {  	_ = 	snop  }
0x3c: {  	p2 =	seq.s32 s10, $0x1;
	s10 =	sld [smem:$0x3FB3]  }
0x3d: {  	_ =	shalt  }
0x3e: {  	_ =	shalt  }
0x3f: {  	_ =	shalt  }
0x40: {  	_ =	shalt  }
0x41: {  	_ =	shalt  }
0x42: {  	_ =	shalt  }
0x43: {  	_ =	shalt  }
0x44: {  	_ =	shalt  }
0x45: {  	_ =	shalt  }
0x46: {  	_ =	shalt  }
0x47: {  	_ =	shalt  }
0x48: {  	_ =	shalt  }
0x49: {  	_ =	shalt  }
0x4a: {  	_ =	shalt  }
0x4b: {  	_ =	shalt  }
0x4c: {  	_ =	shalt  }
0x4d: {  	_ =	shalt  }
0x4e: {  	_ =	shalt  }
0x4f: {  	_ =	shalt  }
0x50: {  	_ =	shalt  }
0x51: {  	_ =	shalt  }
0x52: {  	_ =	shalt  }
0x53: {  	_ =	shalt  }
0x54: {  	_ =	shalt  }
0x55: {  	_ =	shalt  }
0x56: {  	_ =	shalt  }
0x57: {  	_ =	shalt  }
0x58: {  	_ =	shalt  }
0x59: {  	_ =	shalt  }
0x5a: {  	_ =	shalt  }
0x5b: {  	_ =	shalt  }
0x5c: {  	_ =	shalt  }
0x5d: {  	_ =	shalt  }
0x5e: {  	_ =	shalt  }
0x5f: {  	_ =	shalt  }
0x60: {  	_ =	shalt  }
0x61: {  	_ =	shalt  }
0x62: {  	_ =	shalt  }
0x63: {  	_ =	shalt  }
0x64: {  	_ =	shalt  }
0x65: {  	_ =	shalt  }
0x66: {  	_ =	shalt  }
0x67: {  	_ =	shalt  }
0x68: {  	_ =	shalt  }
0x69: {  	_ =	shalt  }
0x6a: {  	_ =	shalt  }
0x6b: {  	_ =	shalt  }
0x6c: {  	_ =	shalt  }
0x6d: {  	_ =	shalt  }
0x6e: {  	_ =	shalt  }
0x6f: {  	_ =	shalt  }
0x70: {  	_ =	shalt  }
0x71: {  	_ =	shalt  }
0x72: {  	_ =	shalt  }
0x73: {  	_ =	shalt  }
0x74: {  	_ =	shalt  }
0x75: {  	_ =	shalt  }
0x76: {  	_ =	shalt  }
0x77: {  	_ =	shalt  }
0x78: {  	_ =	shalt  }
0x79: {  	_ =	shalt  }
0x7a: {  	_ =	shalt  }
0x7b: {  	_ =	shalt  }
0x7c: {  	_ =	shalt  }
0x7d: {  	_ =	shalt  }
0x7e: {  	_ =	shalt  }
0x7f: {  	_ =	shalt  }
0x80: {  	_ =	shalt  }
0x81: {  	_ =	shalt  }
0x82: {  	_ =	shalt  }
0x83: {  	_ =	shalt  }
0x84: {  	_ =	shalt  }
0x85: {  	_ =	shalt  }
0x86: {  	_ =	shalt  }
0x87: {  	_ =	shalt  }
.Lfunc_end0:
.L_simem_size_0:
called_computation_lowered:
.L_overlay_start_0:
0x88: {  	s2 =	sld [smem:$0x3FD9]  }
0x89: {  	s3 =	sld [smem:$0x3FFE];
	_ =	sdelay $0x1  }
0x8a: {  	s1 =	srdreg.scid  }
0x8b: {  	s0 =	sand.u32 $0x1, s1  }
0x8c: {  	s16 =	sshll.u32 s0, $0xA;
	s2 =	sadd.s32 s3, s2  }
0x8d: {  	s2 =	sadd.s32 s2, s16  }
0x8e: {  	[smem:$0x3FBF] =	sst s2  }
0x8f: {  	_ = 	snop  }
0x90: {  	(tm) =	ssettm $0x1  }
0x91: {  	s17 =	sld [smem:$0x3FFB];
	_ =	sdelay $0x3  }
0x92: {  	_ =	strace s17  }
0x93: {  	s2 =	sld [smem:$0x3FFC];
	_ =	sdelay $0x3  }
0x94: {  	_ =	strace s2  }
0x95: {  	s2 =	sld [smem:$0x3FFD];
	_ =	sdelay $0x3  }
0x96: {  	_ =	strace s2  }
0x97: {  	_ =	strace $0x8FFFFFFF  }
0x98: {  	s18 =	sld [smem:$0x3FDB];
	_ =	sdelay $0x1  }
0x99: {  	s19 =	simm.s32 $_scs_section_size  }
0x9a: {  	s4 =	simm.s32 $_size__tile_overlayer_lowered;
	s5 =	simm.s32 $_tile_overlayer_lowered  }
0x9b: {  	s22 =	simm.s32 $0x1BFF;
	s21 =	sshll.u32 s5, $0x1;
	s2 =	sadd.s32 s19, s18  }
0x9c: {  	s6 =	simm.s32 $0x0;
	s20 =	sshll.u32 s4, $0x1;
	s4 =	sadd.s32 s21, s2  }
0x9d: {  	[timem:s6], [sflag:s22] =	dma.local [hbm:s4], s20  }
0x9e: {  	_ =	swait.ge [sflag:s22], s20  }
0x9f: {  	s3 =	ssub.s32 $0x0, s20;
	[sflag:s22] =	ssyncset.done $0x0  }
0xa0: {  	[sflag:s22] =	ssyncadd.s32 s3;
	_ =	sdelay $0x1  }
0xa1: {  	s23 =	simm.s32 $0x1B8B  }
0xa2: {  	_ =	swait.ge [sflag:s23], $0x1  }
0xa3: {  	[sflag:s23] =	ssyncset.done $0x0  }
0xa4: {  	s25 =	simm.s32 $0x1B8E;
	s24 =	sld [smem:$0x3FFE];
	[sflag:s23] =	ssyncadd.s32 $0xFFFFFFFF  }
0xa5: {  	s26 =	simm.s32 $execute0_lowered;
	[smem:$0x3FD2] =	sst s25  }
0xa6: {  	s4 =	sshll.u32 s26, $0x1;
	_ =	strace $0x80000046;
	[dreg:$0x1] =	wrdreg $0xFFFFFFFF  }
0xa7: {  	s28 =	simm.s32 $_size_execute0_lowered;
	s2 =	sadd.s32 s2, s4;
	[dreg:$0x0] =	wrdreg $0x0  }
0xa8: {  	s4 =	sshll.u32 s28, $0x1;
	[dreg:$0x2] =	wrdreg s2  }
0xa9: {  	[dreg:$0x3] =	wrdreg s4  }
0xaa: {  	[dreg:$0x4] =	wrdreg $0xC0  }
0xab: {  	_ =	task [dreg:s6], $0x5FFFF  }
0xac: {  	[dreg:$0x1] =	wrdreg $0xFFFFFFFF  }
0xad: {  	[dreg:$0x0] =	wrdreg $0x60  }
0xae: {  	[dreg:$0x2] =	wrdreg s24  }
0xaf: {  	[dreg:$0x3] =	wrdreg $0x74000  }
0xb0: {  	[dreg:$0x4] =	wrdreg $0x9  }
0xb1: {  	_ =	task.clear_ibuf [dreg:s6], $0x5FFFF;
	_ =	strace $0x90000046  }
0xb2: {  	s29 =	simm.s32 $0x9;
	_ =	strace $0x80000048  }
0xb3: {  	_ =	swait.ge [sflag:s29], $0x1  }
0xb4: {  	[sflag:s29] =	ssyncadd.s32 $0xFFFFFFFF  }
0xb5: {  	_ =	strace $0x90000048  }
0xb6: {  	_ =	sfence  }
0xb7: {  	s30 =	sld [smem:$0x0];
	_ =	sdelay $0x2  }
0xb8: {  	s31 =	sshll.u32 s1, $0xD;
	s1 =	sshrl.u32 s1, $0x2  }
0xb9: {  	s3 =	sand.u32 $0x4000, s31;
	s1 =	sadd.s32 s1, s30  }
0xba: {  	s0 =	sor.u32 s3, s0;
	s1 =	sshll.u32 s1, $0x11  }
0xbb: {  	s0 =	sor.u32 s1, s0  }
0xbc: {  	s0 =	sadd.s32 $0x8F2B, s0  }
0xbd: {  	[sflag:s0] =	ssyncadd.remote.s32 $0x1  }
0xbe: {  	_ =	sfence.sel $0xFFFF  }
0xbf: {  	[dreg:$0x0] =	wrdreg $0xFFFFFFFF;
	(pc) =	sbr.abs _section_cstart, $3  }
0xc0: {  	[dreg:$0x1] =	wrdreg $0xFFFFFFFF  }
0xc1: {  	_ =	task.clear_ibuf [dreg:s6], $0x2FFFF;
	_ =	strace $0x9FFFFFFF  }
0xc2: {  	(tm) =	ssettm $0x7FFFFFFF  }
0xc3: {  	_ =	shalt  }
tec
execute0_lowered:
.L_overlay_start_1:
0x0: {  	(tag) =	ssettag $0x1  }
0x1: {  	s4 =	rddreg [dreg:$0x0];
	s0 =	srdreg.scid  }
0x2: {  	s2 =	rddreg [dreg:$0x1];
	s1 =	stileid.u32  }
0x3: {  	s3 =	simm.s32 $0x0;
	s17 =	simm.s32 $0x5400;
	s18 =	simm.s32 $0x1  }
0x4: {  	s19 =	simm.s32 $0x80;
	s20 =	simm.s32 $0x1400;
	s8 =	smul.u32 $0x14000, s1  }
0x5: {  	s5 =	sand.u32 $0x1, s0;
	s0 =	rddreg [dreg:$0x2];
	s30 =	smul.u32 $0x50000, s1  }
0x6: {  	s6 =	sshll.u32 s1, $0x1;
	[smem:$0x7FF] =	sst s3;
	s7 =	smul.u32 $0x140000, s5  }
0x7: {  	s6 =	sor.u32 s5, s6;
	_ =	strace $0x80000047;
	s5 =	ssub.s32 $0x2, s5  }
0x8: {  	s6 =	smul.u32 $0x280, s6;
	s31 =	sshrl.u32 s5, $0x1;
	s7 =	sadd.s32 s8, s7  }
0x9: {  	s8 =	sshrl.u32 s30, $0x2;
	s9 =	ssub.s32 s5, s31;
	s7 =	sshrl.u32 s7, $0x3  }
0xa: {  	s6 =	sadd.s32 s6, s4;
	s7 =	sadd.s32 s7, s4;
	s4 =	sadd.s32 s8, s2  }
0xb: {  	s5 =	sadd.s32 $0x2600, s6;
	s6 =	sadd.s32 $0x7600, s7;
	s7 =	smax.u32 s9, $0x1  }
0xc: {  	s8 =	sadd.s32 $0x2000, s4;
	s9 =	sadd.s32 $0x4000, s4;
	s10 =	sadd.s32 $0x6000, s4  }
0xd: {  	s11 =	sadd.s32 $0x8000, s4;
	s12 =	sadd.s32 $0xA000, s4;
	s13 =	sadd.s32 $0xC000, s4  }
0xe: {  	v0 =	vimm.f32 $0.0e+00;
	v1 =	vimm.f32 $1.000000000e+00;
	s14 =	sadd.s32 $0xE000, s4;
	s15 =	sadd.s32 $0x10000, s4;
	s16 =	sadd.s32 $0x12000, s4  }
.LBB2_1:
0xf: {  	s21 =	simm.s32 $0x0  }
.LBB2_2:
0x10: {  	p0 =	sne.s32 s21, $0x7E00  }
.Ltmp0:
0x11: {  	_ = 	snop;
	(pc) =	sbr.rel @p0 .LBB2_2-.Ltmp0, $3  }
0x12: {  	_ =	sdelay $0x1  }
0x13: {  	s22 =	sshra.s32 s21, $0x2  }
0x14: {  	s21 =	sadd.s32 $0x200, s21;
	[tilespmem:s22+$0x5400] =	vst v0  }
0x15: {  	s21 =	simm.s32 $0x200;
	s22 =	simm.s32 $0x0  }
.LBB2_4:
0x16: {  	p0 =	sne.s32 s21, $0xFE00;
	[tilespmem:s22+$0x1400] =	vst v1;
	s22 =	smov.u32 s21;
	s21 =	sadd.s32 $0x200, s21  }
.Ltmp1:
0x17: {  	(pc) =	sbr.rel @p0 .LBB2_4-.Ltmp1, $2  }
0x18: {  	_ =	sdelay $0x2  }
0x19: {  	s22 =	sshra.s32 s22, $0x2  }
0x1a: {  	[tilespmem:s22+$0x1400] =	vst v1  }
0x1b: {  	[spmem:s4] =	stream.linear.scatter [tilespmem:s17], [sflag:$0x1], $0x2000, $0x38;
	[tilespmem:$0x9C00] =	vst v63  }
0x1c: {  	_ =	swait.ge [sflag:s18], $0x2000  }
0x1d: {  	[sflag:s18] =	ssyncset.done $0x0  }
0x1e: {  	[sflag:s18] =	ssyncadd.s32 $0xFFFFE000  }
0x1f: {  	[spmem:s8] =	stream.linear.scatter [tilespmem:s17], [sflag:$0x1], $0x2000, $0x38;
	[tilespmem:$0x9C00] =	vst v63  }
0x20: {  	_ =	swait.ge [sflag:s18], $0x2000  }
0x21: {  	[sflag:s18] =	ssyncset.done $0x0  }
0x22: {  	[sflag:s18] =	ssyncadd.s32 $0xFFFFE000  }
0x23: {  	[spmem:s9] =	stream.linear.scatter [tilespmem:s17], [sflag:$0x1], $0x2000, $0x38;
	[tilespmem:$0x9C00] =	vst v63  }
0x24: {  	_ =	swait.ge [sflag:s18], $0x2000  }
0x25: {  	[sflag:s18] =	ssyncset.done $0x0  }
0x26: {  	[sflag:s18] =	ssyncadd.s32 $0xFFFFE000  }
0x27: {  	[spmem:s10] =	stream.linear.scatter [tilespmem:s17], [sflag:$0x1], $0x2000, $0x38;
	[tilespmem:$0x9C00] =	vst v63  }
0x28: {  	_ =	swait.ge [sflag:s18], $0x2000  }
0x29: {  	[sflag:s18] =	ssyncset.done $0x0  }
0x2a: {  	[sflag:s18] =	ssyncadd.s32 $0xFFFFE000  }
0x2b: {  	[spmem:s11] =	stream.linear.scatter [tilespmem:s17], [sflag:$0x1], $0x2000, $0x38;
	[tilespmem:$0x9C00] =	vst v63  }
0x2c: {  	_ =	swait.ge [sflag:s18], $0x2000  }
0x2d: {  	[sflag:s18] =	ssyncset.done $0x0  }
0x2e: {  	[sflag:s18] =	ssyncadd.s32 $0xFFFFE000  }
0x2f: {  	[spmem:s12] =	stream.linear.scatter [tilespmem:s17], [sflag:$0x1], $0x2000, $0x38;
	[tilespmem:$0x9C00] =	vst v63  }
0x30: {  	_ =	swait.ge [sflag:s18], $0x2000  }
0x31: {  	[sflag:s18] =	ssyncset.done $0x0  }
0x32: {  	[sflag:s18] =	ssyncadd.s32 $0xFFFFE000  }
0x33: {  	[spmem:s13] =	stream.linear.scatter [tilespmem:s17], [sflag:$0x1], $0x2000, $0x38;
	[tilespmem:$0x9C00] =	vst v63  }
0x34: {  	_ =	swait.ge [sflag:s18], $0x2000  }
0x35: {  	[sflag:s18] =	ssyncset.done $0x0  }
0x36: {  	[sflag:s18] =	ssyncadd.s32 $0xFFFFE000  }
0x37: {  	[spmem:s14] =	stream.linear.scatter [tilespmem:s17], [sflag:$0x1], $0x2000, $0x38;
	[tilespmem:$0x9C00] =	vst v63  }
0x38: {  	_ =	swait.ge [sflag:s18], $0x2000  }
0x39: {  	[sflag:s18] =	ssyncset.done $0x0  }
0x3a: {  	[sflag:s18] =	ssyncadd.s32 $0xFFFFE000  }
0x3b: {  	[spmem:s15] =	stream.linear.scatter [tilespmem:s17], [sflag:$0x1], $0x2000, $0x38;
	[tilespmem:$0x9C00] =	vst v63  }
0x3c: {  	_ =	swait.ge [sflag:s18], $0x2000  }
0x3d: {  	[sflag:s18] =	ssyncset.done $0x0  }
0x3e: {  	[sflag:s18] =	ssyncadd.s32 $0xFFFFE000  }
0x3f: {  	[spmem:s16] =	stream.linear.scatter [tilespmem:s17], [sflag:$0x1], $0x2000, $0x38;
	[tilespmem:$0x9C00] =	vst v63  }
0x40: {  	_ =	swait.ge [sflag:s18], $0x2000  }
0x41: {  	[sflag:s18] =	ssyncset.done $0x0  }
0x42: {  	s21 =	simm.s32 $0x0;
	[sflag:s18] =	ssyncadd.s32 $0xFFFFE000  }
0x43: {  	[tilespmem:s21], [sflag:$0x1] =	stream.linear.gather [hbm4b:s5+s21], $0x1400, $0x38;
	[tilespmem:$0x9C00] =	vst v63  }
0x44: {  	_ =	swait.ge [sflag:s18], $0x1400  }
0x45: {  	[sflag:s18] =	ssyncset.done $0x0  }
0x46: {  	[sflag:s18] =	ssyncadd.s32 $0xFFFFEC00  }
0x47: {  	s31 =	simm.s32 $0x0;
	[bflag:$0x0] =	sbarrier.arrive $0xFFFF  }
0x48: {  	[spmem:s2] =	stream.indirect.scatter.add.f32 [tilespmem:s20], [sflag:$0x1], $0x10, s31, s19, $0xb8;
	[tilespmem:$0x9C00] =	vst v63  }
0x49: {  	_ =	swait.ge [sflag:s18], $0x800  }
0x4a: {  	s21 =	simm.s32 $0x200;
	[sflag:s18] =	ssyncset.done $0x0  }
.LBB2_6:
0x4b: {  	s22 =	sshra.s32 s21, $0x2;
	[sflag:s18] =	ssyncadd.s32 $0xFFFFF800;
	p0 =	sne.s32 s21, $0x4E00  }
0x4c: {  	[spmem:s2] =	stream.indirect.scatter.add.f32 [tilespmem:s20], [sflag:$0x1], $0x10, s22, s19, $0xb8;
	[tilespmem:$0x9C00] =	vst v63  }
.Ltmp2:
0x4d: {  	_ = 	snop;
	(pc) =	sbr.rel @p0 .LBB2_6-.Ltmp2, $4  }
0x4e: {  	_ = 	snop  }
0x4f: {  	s21 =	sadd.s32 $0x200, s21  }
0x50: {  	_ =	swait.ge [sflag:s18], $0x800  }
0x51: {  	[sflag:s18] =	ssyncset.done $0x0  }
0x52: {  	[sflag:s18] =	ssyncadd.s32 $0xFFFFF800;
	s3 =	sadd.s32 $0x1, s3  }
0x53: {  	s21 =	sshll.u32 s1, $0x6;
	s22 =	sshrl.u32 s4, $0x3;
	p0 =	sne.s32 s3, s7  }
.Ltmp3:
0x54: {  	[bflag:$0x0] =	sbarrier.arrive $0xFFFF;
	s21 =	sor.u32 $0x1C01, s21;
	(pc) =	sbr.rel @p0 .LBB2_1-.Ltmp3, $4  }
0x55: {  	[hbm:s6], [sflag:s21] =	dma.local [spmem:s22], $0x2800  }
0x56: {  	_ =	swait.ge [sflag:s18], $0x2800  }
0x57: {  	[sflag:s18] =	ssyncset.done $0x0  }
0x58: {  	[sflag:s18] =	ssyncadd.s32 $0xFFFFD800  }
0x59: {  	_ =	sfence.sel $0x180000  }
0x5a: {  	[bflag:$0x0] =	sbarrier.arrive $0xFFFF  }
0x5b: {  	p0 =	sne.s32 s1, $0x0;
	_ =	strace $0x90000047  }
0x5c: {  	s0 =	sadd.s32 @!p0 $0x100000, s0;
	[bflag:$0x2] =	sbarrier.arrive $0xFFFF  }
0x5d: {  	[sflag:s0] =	ssyncadd.tile.s32 @!p0 $0x1;
	_ =	shalt  }
.Lfunc_end2:
_tile_overlayer_lowered:
.L_overlay_start_2:
0x5e: {  	(tag) =	ssettag $0x2  }
0x5f: {  	s0 =	rddreg [dreg:$0x0];
	s2 =	stileid.u32  }
0x60: {  	s1 =	rddreg [dreg:$0x1];
	p0 =	sne.s32 s2, $0x0  }
0x61: {  	s3 =	rddreg [dreg:$0x2];
	[bflag:$0x3] =	sbarrier.arrive $0xFFFF;
	s2 =	simm.s32 @!p0 $0x1C01  }
0x62: {  	[timem:s3], [sflag:s2] =	dma.local @!p0 [hbm:s0], s1  }
0x63: {  	s0 =	simm.s32 @!p0 $0x1  }
0x64: {  	_ =	swait.ge @!p0 [sflag:s0], s1  }
0x65: {  	s1 =	ssub.s32 @!p0 $0x0, s1;
	[sflag:s0] =	ssyncset.done @!p0 $0x0  }
0x66: {  	[sflag:s0] =	ssyncadd.s32 @!p0 s1  }
0x67: {  	[bflag:$0x3] =	sbarrier.arrive $0xFFFF  }
0x68: {  	_ =	shalt  }

</sc_bundles>
